<compile_context>
chip_gen: v7x
topology: tpu7x:2x2x1
jax: 0.10.2.dev20260603
libtpu: 0.0.44.dev20260713+nightly
codegen_flags: <defaults>
</compile_context>

<pallas_src>
import functools

import jax
import jax.numpy as jnp
import numpy as np
from jax import lax
from jax.experimental import pallas as pl
from jax.experimental.pallas import tpu as pltpu
from jax.experimental.pallas import tpu_sc as plsc

_B = 16384
_NS = 26
_ND = 13
_V = 100000
_D = 16
_NF = _NS + _ND
_PAIRS = _NF * (_NF - 1) // 2

_NC = 2
_NSUB = 16
_NW = _NC * _NSUB
_TOT = _B * _NS
_PER_W = _TOT // _NW
_CH = 1024
_CROWS = _CH // 128
_NCH = _PER_W // _CH

_BB = 512


def _sc_gather(emb_tab, lin_tab, idx2, lidx2):
    mesh = plsc.VectorSubcoreMesh(core_axis_name="c", subcore_axis_name="s")

    @functools.partial(
        pl.kernel,
        mesh=mesh,
        compiler_params=pltpu.CompilerParams(use_tc_tiling_on_sc=False),
        out_type=(
            jax.ShapeDtypeStruct((_TOT, _D), jnp.float32),
            jax.ShapeDtypeStruct((_TOT, _D), jnp.float32),
        ),
        scratch_types=[
            pltpu.VMEM((_CROWS, 128), jnp.int32),
            pltpu.VMEM((_CROWS, 128), jnp.int32),
            pltpu.VMEM((_CH, _D), jnp.float32),
            pltpu.VMEM((_CH, _D), jnp.float32),
            pltpu.SemaphoreType.DMA,
            pltpu.SemaphoreType.DMA,
        ],
    )
    def k(emb_hbm, lin_hbm, idx_hbm, lidx_hbm, emb_out, lrows_out,
          idx_v, lidx_v, rows_v, lrows_v, sem_e, sem_l):
        wid = lax.axis_index("s") * _NC + lax.axis_index("c")
        row_base = wid * (_PER_W // 128)
        base = wid * _PER_W

        def chunk(c, carry):
            row0 = row_base + c * _CROWS
            off = base + c * _CH
            pltpu.sync_copy(idx_hbm.at[pl.ds(row0, _CROWS)], idx_v)
            pltpu.sync_copy(lidx_hbm.at[pl.ds(row0, _CROWS)], lidx_v)
            cps = []
            for j in range(_CROWS):
                cps.append(pltpu.async_copy(
                    emb_hbm.at[idx_v.at[j]],
                    rows_v.at[pl.ds(j * 128, 128)], sem_e))
                cps.append(pltpu.async_copy(
                    lin_hbm.at[lidx_v.at[j]],
                    lrows_v.at[pl.ds(j * 128, 128)], sem_l))
            for cp in cps:
                cp.wait()
            pltpu.sync_copy(rows_v, emb_out.at[pl.ds(off, _CH)])
            pltpu.sync_copy(lrows_v, lrows_out.at[pl.ds(off, _CH)])
            return carry

        lax.fori_loop(0, _NCH, chunk, 0)

    return k(emb_tab, lin_tab, idx2, lidx2)


def _tc_body(dense_ref, emb_ref, lrows_ref, mod_ref, K26_ref, dpat_ref,
             dK_ref, dKb_ref, dlW_ref, dlb_ref,
             aW_ref, ab_ref, ahe_ref, R_ref, pwW_ref, pwb_ref, oW_ref, ob_ref,
             out_ref):
    dense = dense_ref[...]
    embf = emb_ref[...]
    dv = (jnp.dot(dense, dK_ref[...], preferred_element_type=jnp.float32)
          + dKb_ref[...])
    vf = jnp.concatenate([dv, embf], axis=1)

    R = R_ref[...]
    s = jnp.dot(vf, R, preferred_element_type=jnp.float32)
    q = jnp.dot(vf * vf, R, preferred_element_type=jnp.float32)
    ap = 0.5 * (s * s - q)

    t = jnp.dot(ap, aW_ref[...], preferred_element_type=jnp.float32)
    t = jnp.maximum(t + ab_ref[...], 0.0)
    ze = jnp.dot(t, ahe_ref[...], preferred_element_type=jnp.float32)
    ze = ze - jnp.max(ze, axis=-1, keepdims=True)
    ee = jnp.exp(ze)
    we = ee * (16.0 / jnp.sum(ee, axis=-1, keepdims=True))

    bb = dense.shape[0]
    acc = jnp.zeros((bb, _D), dtype=jnp.float32)
    off = 0
    for i in range(_NF - 1):
        m = _NF - 1 - i
        wslice = we[:, off * 16:(off + m) * 16]
        ta = jnp.concatenate(
            [jnp.zeros((bb, (i + 1) * _D), dtype=jnp.float32), wslice], axis=1)
        inner = jnp.dot(ta * vf, R, preferred_element_type=jnp.float32)
        acc = acc + vf[:, i * _D:(i + 1) * _D] * inner
        off += m

    pair_logit = (jnp.sum(acc * pwW_ref[...], axis=1, keepdims=True)
                  + pwb_ref[...])
    modexp = jnp.dot(mod_ref[...], K26_ref[...],
                     preferred_element_type=jnp.float32)
    onehot = jnp.where(modexp == dpat_ref[...], 1.0, 0.0)
    lin_sum = jnp.sum(lrows_ref[...] * onehot, axis=1, keepdims=True)
    lin_logit = (jnp.sum(dense * dlW_ref[...], axis=1, keepdims=True)
                 + dlb_ref[...] + lin_sum)
    oW = oW_ref[...]
    out_ref[...] = lin_logit * oW[:, 0:1] + pair_logit * oW[:, 1:2] + ob_ref[...]


def _tc_compute(dense_x, embf, lrowsf, mod2, K26, dpat, dK, dKb, dlW, dlb,
                aW, ab, ahe, R, pwW, pwb, oW, ob):
    grid = (_B // _BB,)
    full = lambda shape: pl.BlockSpec(shape, lambda g: tuple(0 for _ in shape))
    return pl.pallas_call(
        _tc_body,
        grid=grid,
        in_specs=[
            pl.BlockSpec((_BB, _ND), lambda g: (g, 0)),
            pl.BlockSpec((_BB, _NS * _D), lambda g: (g, 0)),
            pl.BlockSpec((_BB, _NS * _D), lambda g: (g, 0)),
            pl.BlockSpec((_BB, _NS), lambda g: (g, 0)),
            full((_NS, _NS * _D)),
            full((1, _NS * _D)),
            full((_ND, _ND * _D)),
            full((1, _ND * _D)),
            full((1, _ND)),
            full((1, 1)),
            full((_D, _D)),
            full((1, _D)),
            full((_D, _PAIRS * _D)),
            full((_NF * _D, _D)),
            full((1, _D)),
            full((1, 1)),
            full((1, 2)),
            full((1, 1)),
        ],
        out_specs=pl.BlockSpec((_BB, 1), lambda g: (g, 0)),
        out_shape=jax.ShapeDtypeStruct((_B, 1), jnp.float32),
    )(dense_x, embf, lrowsf, mod2, K26, dpat, dK, dKb, dlW, dlb,
      aW, ab, ahe, R, pwW, pwb, oW, ob)


def kernel(dense_x, discrete_x, dense_layer_W, dense_layer_b,
           discrete_layer_tables, dense_embedding_W, dense_embedding_b,
           discrete_embedding_tables, attn_W, attn_W_b, attn_h,
           pw_out_W, pw_out_b, out_W, out_b):
    offs = (jnp.arange(_NS, dtype=jnp.int32) * _V)[None, :]
    idx = discrete_x.astype(jnp.int32) + offs
    idx2 = idx.reshape(_TOT // 128, 128)
    lidx2 = (idx // 16).reshape(_TOT // 128, 128)
    mod2 = (idx % 16).astype(jnp.float32)

    emb_tab = discrete_embedding_tables.reshape(_NS * _V, _D)
    lin_tab = discrete_layer_tables.reshape(_NS * _V // 16, 16)

    emb_flat, lrows_flat = _sc_gather(emb_tab, lin_tab, idx2, lidx2)
    embf = emb_flat.reshape(_B, _NS * _D)
    lrowsf = lrows_flat.reshape(_B, _NS * _D)

    eye13 = jnp.eye(_ND, dtype=jnp.float32)
    dK = (eye13[:, :, None] * dense_embedding_W.reshape(1, 1, _D)
          ).reshape(_ND, _ND * _D)
    dKb = jnp.tile(dense_embedding_b.reshape(1, _D), (1, _ND))
    ahe = jnp.repeat(attn_h, _D, axis=1)
    R = jnp.tile(jnp.eye(_D, dtype=jnp.float32), (_NF, 1))
    eye26 = jnp.eye(_NS, dtype=jnp.float32)
    K26 = (eye26[:, :, None] * jnp.ones((1, 1, _D), jnp.float32)
           ).reshape(_NS, _NS * _D)
    dpat = jnp.tile(jnp.arange(_D, dtype=jnp.float32), (_NS,))[None, :]

    return _tc_compute(
        dense_x, embf, lrowsf, mod2, K26, dpat, dK, dKb,
        dense_layer_W.reshape(1, _ND),
        dense_layer_b.reshape(1, 1),
        attn_W,
        attn_W_b.reshape(1, _D),
        ahe,
        R,
        pw_out_W.reshape(1, _D),
        pw_out_b.reshape(1, 1),
        out_W.reshape(1, 2),
        out_b.reshape(1, 1),
    )

# --- scband reference (transcript-rebuilt; emitter-appended) ---
"""Pipeline reference for scband-afm-47528108098272 (READ-ONLY COPY).

The authoritative reference and input builder live on the scoring server;
editing this copy changes nothing except your own understanding.
"""

import jax, jax.numpy as jnp
import numpy as np

B = 16384
N_SPARSE = 26
N_DENSE = 13
VOCAB = 100000
D = 16
ATTN = 16
N_FEAT = N_SPARSE + N_DENSE  # 39
PAIRS = N_FEAT * (N_FEAT - 1) // 2


def setup_inputs(seed: int = 0) -> dict:
    key = jax.random.key(seed)
    ks = jax.random.split(key, 12)
    dense_x = jax.random.normal(ks[0], (B, N_DENSE), dtype=jnp.float32)
    discrete_x = jax.random.randint(ks[1], (B, N_SPARSE), 0, VOCAB, dtype=jnp.int64)
    # linear part params
    dense_layer_W = jax.random.normal(ks[2], (N_DENSE, 1), dtype=jnp.float32) * 0.1
    dense_layer_b = jnp.zeros((1,), dtype=jnp.float32)
    discrete_layer_tables = jax.random.normal(ks[3], (N_SPARSE, VOCAB, 1), dtype=jnp.float32) * 0.01
    # embedding part params
    dense_embedding_W = jax.random.normal(ks[4], (1, D), dtype=jnp.float32) * 0.1
    dense_embedding_b = jnp.zeros((D,), dtype=jnp.float32)
    discrete_embedding_tables = jax.random.normal(ks[5], (N_SPARSE, VOCAB, D), dtype=jnp.float32) * 0.01
    # pair-wise interaction layer params
    attn_W = jax.random.normal(ks[6], (D, ATTN), dtype=jnp.float32) * 0.1
    attn_W_b = jnp.zeros((ATTN,), dtype=jnp.float32)
    attn_h = jax.random.normal(ks[7], (ATTN, PAIRS), dtype=jnp.float32) * 0.1
    pw_out_W = jax.random.normal(ks[8], (D, 1), dtype=jnp.float32) * 0.1
    pw_out_b = jnp.zeros((1,), dtype=jnp.float32)
    # final output layer
    out_W = jax.random.normal(ks[9], (2, 1), dtype=jnp.float32) * 0.1
    out_b = jnp.zeros((1,), dtype=jnp.float32)
    return {
        'dense_x': dense_x,
        'discrete_x': discrete_x,
        'dense_layer_W': dense_layer_W,
        'dense_layer_b': dense_layer_b,
        'discrete_layer_tables': discrete_layer_tables,
        'dense_embedding_W': dense_embedding_W,
        'dense_embedding_b': dense_embedding_b,
        'discrete_embedding_tables': discrete_embedding_tables,
        'attn_W': attn_W,
        'attn_W_b': attn_W_b,
        'attn_h': attn_h,
        'pw_out_W': pw_out_W,
        'pw_out_b': pw_out_b,
        'out_W': out_W,
        'out_b': out_b,
    }


def _triu_indices(n):
    idx_i, idx_j = np.triu_indices(n, k=1)
    return jnp.asarray(idx_i), jnp.asarray(idx_j)


def reference(dense_x, discrete_x, dense_layer_W, dense_layer_b, discrete_layer_tables,
              dense_embedding_W, dense_embedding_b, discrete_embedding_tables,
              attn_W, attn_W_b, attn_h, pw_out_W, pw_out_b, out_W, out_b):
    # linear logits
    dense_out = dense_x @ dense_layer_W + dense_layer_b  # [B, 1]
    # embedding lookups (1-dim): gather per field, stack, sum over fields
    # discrete_layer_tables: [N_SPARSE, VOCAB, 1]; discrete_x: [B, N_SPARSE]
    disc_lin = jnp.take_along_axis(
        discrete_layer_tables.transpose(1, 0, 2),  # [VOCAB, N_SPARSE, 1]
        discrete_x.T[..., None],  # [N_SPARSE, B] -> need alignment; do per-field take instead
        axis=0) if False else None
    # per-field gather (faithful to ModuleList loop)
    disc_lin_list = [discrete_layer_tables[i][discrete_x[:, i]] for i in range(N_SPARSE)]
    discrete_out = jnp.stack(disc_lin_list, axis=1).sum(axis=1)  # [B, 1]
    linear_logits = dense_out + discrete_out  # [B, 1]

    # embeddings
    dense_embed = dense_x[..., None] @ dense_embedding_W + dense_embedding_b  # [B, N_DENSE, D]
    disc_emb_list = [discrete_embedding_tables[i][discrete_x[:, i]] for i in range(N_SPARSE)]
    discrete_embed = jnp.stack(disc_emb_list, axis=1)  # [B, N_SPARSE, D]
    pair_wise_input = jnp.concatenate([dense_embed, discrete_embed], axis=1)  # [B, N_FEAT, D]

    # PairWiseInteractionLayer
    idx_i, idx_j = _triu_indices(N_FEAT)
    x_i = pair_wise_input[:, idx_i, :]  # [B, PAIRS, D]
    x_j = pair_wise_input[:, idx_j, :]
    pair_wise_x = x_i * x_j  # [B, PAIRS, D]
    attn_pair_wise_x = jnp.sum(pair_wise_x, axis=1)  # [B, D]
    attn_temp = jax.nn.relu(attn_pair_wise_x @ attn_W + attn_W_b)  # [B, ATTN]
    attn_weight = jax.nn.softmax(attn_temp @ attn_h, axis=-1)  # [B, PAIRS]
    # dropout rate 0.0 -> identity in eval
    out_x = attn_weight[..., None] * pair_wise_x  # [B, PAIRS, D]
    out_x = jnp.sum(out_x, axis=1)  # [B, D]
    pair_wise_logits = out_x @ pw_out_W + pw_out_b  # [B, 1]

    logits = jnp.concatenate([linear_logits, pair_wise_logits], axis=1)  # [B, 2]
    logits = logits @ out_W + out_b  # [B, 1]
    return logits

if __name__ == "__main__":
    import jax
    _d = setup_inputs()
    print(jax.jit(kernel)(*tuple(_d.values())))

</pallas_src>

<mosaic_0001>
#map = affine_map<(d0, d1) -> (0, 0)>
module attributes {stable_mosaic.version = 14 : i64} {
  func.func @k(%arg0: i32, %arg1: i32, %arg2: memref<2600000x16xf32, #tpu.memory_space<hbm>>, %arg3: memref<162500x16xf32, #tpu.memory_space<hbm>>, %arg4: memref<3328x128xi32, #tpu.memory_space<hbm>>, %arg5: memref<3328x128xi32, #tpu.memory_space<hbm>>, %arg6: memref<425984x16xf32, #tpu.memory_space<hbm>>, %arg7: memref<425984x16xf32, #tpu.memory_space<hbm>>, %arg8: memref<8x128xi32, #tpu.memory_space<vmem>>, %arg9: memref<8x128xi32, #tpu.memory_space<vmem>>, %arg10: memref<1024x16xf32, #tpu.memory_space<vmem>>, %arg11: memref<1024x16xf32, #tpu.memory_space<vmem>>, %arg12: memref<!tpu.dma_semaphore, #tpu.memory_space<semaphore_mem>>, %arg13: memref<!tpu.dma_semaphore, #tpu.memory_space<semaphore_mem>>) attributes {dimension_semantics = [#tpu.dimension_semantics<core_parallel>, #tpu.dimension_semantics<subcore_parallel>], iteration_bounds = array<i64: 2, 16>, scalar_prefetch = 0 : i64, scratch_operands = 6 : i64, tpu.core_type = #tpu.core_type<sc_vector_subcore>, window_params = [{transform_indices = #map}, {transform_indices = #map}, {transform_indices = #map}, {transform_indices = #map}, {transform_indices = #map}, {transform_indices = #map}]} {
    %mul3A = arith.constant 2 : i32
    %mul3A_0 = arith.muli %arg1, %mul3A : i32
    %add3A = arith.addi %mul3A_0, %arg0 : i32
    %mul3A_1 = arith.constant 104 : i32
    %mul3A_2 = arith.muli %add3A, %mul3A_1 : i32
    %mul3A_3 = arith.constant 13312 : i32
    %mul3A_4 = arith.muli %add3A, %mul3A_3 : i32
    %scan3A = arith.constant 0 : i32
    %scan3A_5 = arith.constant 0 : i32
    %scan3A_6 = arith.constant 13 : i32
    %scan3A_7 = arith.addi %scan3A_5, %scan3A_6 : i32
    %scan3A_8 = arith.constant 1 : i32
    scf.for %scan3A_10 = %scan3A_5 to %scan3A_7 step %scan3A_8  : i32 {
      %mul3A_11 = arith.constant 8 : i32
      %mul3A_12 = arith.muli %scan3A_10, %mul3A_11 : i32
      %add3A_13 = arith.addi %mul3A_2, %mul3A_12 : i32
      %mul3A_14 = arith.constant 1024 : i32
      %mul3A_15 = arith.muli %scan3A_10, %mul3A_14 : i32
      %add3A_16 = arith.addi %mul3A_4, %mul3A_15 : i32
      "tpu.region"() ({
        %run_scoped3A = tpu.sem_alloc : memref<!tpu.dma_semaphore, #tpu.memory_space<semaphore_mem>>
        %dma_start3A_335 = arith.constant 0 : i32
        %dma_start3A_336 = tpu.memref_slice %arg4[%add3A_13, %dma_start3A_335] : memref<3328x128xi32, #tpu.memory_space<hbm>> -> memref<8x128xi32, #tpu.memory_space<hbm>>
        %dma_start3A_337 = arith.constant 0 : i32
        %dma_start3A_338 = tpu.memref_slice %arg4[%add3A_13, %dma_start3A_337] : memref<3328x128xi32, #tpu.memory_space<hbm>> -> memref<8x128xi32, #tpu.memory_space<hbm>>
        tpu.enqueue_dma source(%dma_start3A_338 : memref<8x128xi32, #tpu.memory_space<hbm>>) target(%arg8 : memref<8x128xi32, #tpu.memory_space<vmem>>) target_semaphore(%run_scoped3A : memref<!tpu.dma_semaphore, #tpu.memory_space<semaphore_mem>>)
        %dma_wait3A_339 = arith.constant 0 : i32
        %dma_wait3A_340 = tpu.memref_slice %arg4[%add3A_13, %dma_wait3A_339] : memref<3328x128xi32, #tpu.memory_space<hbm>> -> memref<8x128xi32, #tpu.memory_space<hbm>>
        %dma_wait3A_341 = arith.constant 0 : i32
        %dma_wait3A_342 = tpu.memref_slice %arg4[%add3A_13, %dma_wait3A_341] : memref<3328x128xi32, #tpu.memory_space<hbm>> -> memref<8x128xi32, #tpu.memory_space<hbm>>
        tpu.wait_dma2 semaphore(%run_scoped3A : memref<!tpu.dma_semaphore, #tpu.memory_space<semaphore_mem>>) src(%dma_wait3A_342 : memref<8x128xi32, #tpu.memory_space<hbm>>) dst(%arg8 : memref<8x128xi32, #tpu.memory_space<vmem>>)
        tpu.yield
      }) : () -> ()
      "tpu.region"() ({
        %run_scoped3A = tpu.sem_alloc : memref<!tpu.dma_semaphore, #tpu.memory_space<semaphore_mem>>
        %dma_start3A_335 = arith.constant 0 : i32
        %dma_start3A_336 = tpu.memref_slice %arg5[%add3A_13, %dma_start3A_335] : memref<3328x128xi32, #tpu.memory_space<hbm>> -> memref<8x128xi32, #tpu.memory_space<hbm>>
        %dma_start3A_337 = arith.constant 0 : i32
        %dma_start3A_338 = tpu.memref_slice %arg5[%add3A_13, %dma_start3A_337] : memref<3328x128xi32, #tpu.memory_space<hbm>> -> memref<8x128xi32, #tpu.memory_space<hbm>>
        tpu.enqueue_dma source(%dma_start3A_338 : memref<8x128xi32, #tpu.memory_space<hbm>>) target(%arg9 : memref<8x128xi32, #tpu.memory_space<vmem>>) target_semaphore(%run_scoped3A : memref<!tpu.dma_semaphore, #tpu.memory_space<semaphore_mem>>)
        %dma_wait3A_339 = arith.constant 0 : i32
        %dma_wait3A_340 = tpu.memref_slice %arg5[%add3A_13, %dma_wait3A_339] : memref<3328x128xi32, #tpu.memory_space<hbm>> -> memref<8x128xi32, #tpu.memory_space<hbm>>
        %dma_wait3A_341 = arith.constant 0 : i32
        %dma_wait3A_342 = tpu.memref_slice %arg5[%add3A_13, %dma_wait3A_341] : memref<3328x128xi32, #tpu.memory_space<hbm>> -> memref<8x128xi32, #tpu.memory_space<hbm>>
        tpu.wait_dma2 semaphore(%run_scoped3A : memref<!tpu.dma_semaphore, #tpu.memory_space<semaphore_mem>>) src(%dma_wait3A_342 : memref<8x128xi32, #tpu.memory_space<hbm>>) dst(%arg9 : memref<8x128xi32, #tpu.memory_space<vmem>>)
        tpu.yield
      }) : () -> ()
      %dma_start3A = arith.constant 0 : i32
      %dma_start3A_17 = arith.constant 0 : i32
      %dma_start3A_18 = arith.constant 0 : i32
      %dma_start3A_19 = tpu.memref_slice %arg10[%dma_start3A_17, %dma_start3A_18] : memref<1024x16xf32, #tpu.memory_space<vmem>> -> memref<128x16xf32, #tpu.memory_space<vmem>>
      %dma_start3A_20 = arith.constant 0 : i32
      %dma_start3A_21 = tpu.memref_slice %arg8[%dma_start3A, %dma_start3A_20] : memref<8x128xi32, #tpu.memory_space<vmem>> -> memref<1x128xi32, #tpu.memory_space<vmem>>
      %dma_start3A_22 = tpu.memref_squeeze %dma_start3A_21 : memref<1x128xi32, #tpu.memory_space<vmem>> -> memref<128xi32, #tpu.memory_space<vmem>>
      %dma_start3A_23 = arith.constant 0 : i32
      %dma_start3A_24 = arith.constant 0 : i32
      %dma_start3A_25 = tpu.memref_slice %arg2[%dma_start3A_23, %dma_start3A_24] : memref<2600000x16xf32, #tpu.memory_space<hbm>> -> memref<2600000x16xf32, #tpu.memory_space<hbm>>
      tpu.enqueue_indirect_dma source(%dma_start3A_25 : memref<2600000x16xf32, #tpu.memory_space<hbm>>) target(%dma_start3A_19 : memref<128x16xf32, #tpu.memory_space<vmem>>) offsets(%dma_start3A_22 : memref<128xi32, #tpu.memory_space<vmem>>) semaphore(%arg12 : memref<!tpu.dma_semaphore, #tpu.memory_space<semaphore_mem>>)
      %dma_start3A_26 = arith.constant 0 : i32
      %dma_start3A_27 = arith.constant 0 : i32
      %dma_start3A_28 = arith.constant 0 : i32
      %dma_start3A_29 = tpu.memref_slice %arg11[%dma_start3A_27, %dma_start3A_28] : memref<1024x16xf32, #tpu.memory_space<vmem>> -> memref<128x16xf32, #tpu.memory_space<vmem>>
      %dma_start3A_30 = arith.constant 0 : i32
      %dma_start3A_31 = tpu.memref_slice %arg9[%dma_start3A_26, %dma_start3A_30] : memref<8x128xi32, #tpu.memory_space<vmem>> -> memref<1x128xi32, #tpu.memory_space<vmem>>
      %dma_start3A_32 = tpu.memref_squeeze %dma_start3A_31 : memref<1x128xi32, #tpu.memory_space<vmem>> -> memref<128xi32, #tpu.memory_space<vmem>>
      %dma_start3A_33 = arith.constant 0 : i32
      %dma_start3A_34 = arith.constant 0 : i32
      %dma_start3A_35 = tpu.memref_slice %arg3[%dma_start3A_33, %dma_start3A_34] : memref<162500x16xf32, #tpu.memory_space<hbm>> -> memref<162500x16xf32, #tpu.memory_space<hbm>>
      tpu.enqueue_indirect_dma source(%dma_start3A_35 : memref<162500x16xf32, #tpu.memory_space<hbm>>) target(%dma_start3A_29 : memref<128x16xf32, #tpu.memory_space<vmem>>) offsets(%dma_start3A_32 : memref<128xi32, #tpu.memory_space<vmem>>) semaphore(%arg13 : memref<!tpu.dma_semaphore, #tpu.memory_space<semaphore_mem>>)
      %dma_start3A_36 = arith.constant 1 : i32
      %dma_start3A_37 = arith.constant 128 : i32
      %dma_start3A_38 = arith.constant 0 : i32
      %dma_start3A_39 = tpu.memref_slice %arg10[%dma_start3A_37, %dma_start3A_38] : memref<1024x16xf32, #tpu.memory_space<vmem>> -> memref<128x16xf32, #tpu.memory_space<vmem>>
      %dma_start3A_40 = arith.constant 0 : i32
      %dma_start3A_41 = tpu.memref_slice %arg8[%dma_start3A_36, %dma_start3A_40] : memref<8x128xi32, #tpu.memory_space<vmem>> -> memref<1x128xi32, #tpu.memory_space<vmem>>
      %dma_start3A_42 = tpu.memref_squeeze %dma_start3A_41 : memref<1x128xi32, #tpu.memory_space<vmem>> -> memref<128xi32, #tpu.memory_space<vmem>>
      %dma_start3A_43 = arith.constant 0 : i32
      %dma_start3A_44 = arith.constant 0 : i32
      %dma_start3A_45 = tpu.memref_slice %arg2[%dma_start3A_43, %dma_start3A_44] : memref<2600000x16xf32, #tpu.memory_space<hbm>> -> memref<2600000x16xf32, #tpu.memory_space<hbm>>
      tpu.enqueue_indirect_dma source(%dma_start3A_45 : memref<2600000x16xf32, #tpu.memory_space<hbm>>) target(%dma_start3A_39 : memref<128x16xf32, #tpu.memory_space<vmem>>) offsets(%dma_start3A_42 : memref<128xi32, #tpu.memory_space<vmem>>) semaphore(%arg12 : memref<!tpu.dma_semaphore, #tpu.memory_space<semaphore_mem>>)
      %dma_start3A_46 = arith.constant 1 : i32
      %dma_start3A_47 = arith.constant 128 : i32
      %dma_start3A_48 = arith.constant 0 : i32
      %dma_start3A_49 = tpu.memref_slice %arg11[%dma_start3A_47, %dma_start3A_48] : memref<1024x16xf32, #tpu.memory_space<vmem>> -> memref<128x16xf32, #tpu.memory_space<vmem>>
      %dma_start3A_50 = arith.constant 0 : i32
      %dma_start3A_51 = tpu.memref_slice %arg9[%dma_start3A_46, %dma_start3A_50] : memref<8x128xi32, #tpu.memory_space<vmem>> -> memref<1x128xi32, #tpu.memory_space<vmem>>
      %dma_start3A_52 = tpu.memref_squeeze %dma_start3A_51 : memref<1x128xi32, #tpu.memory_space<vmem>> -> memref<128xi32, #tpu.memory_space<vmem>>
      %dma_start3A_53 = arith.constant 0 : i32
      %dma_start3A_54 = arith.constant 0 : i32
      %dma_start3A_55 = tpu.memref_slice %arg3[%dma_start3A_53, %dma_start3A_54] : memref<162500x16xf32, #tpu.memory_space<hbm>> -> memref<162500x16xf32, #tpu.memory_space<hbm>>
      tpu.enqueue_indirect_dma source(%dma_start3A_55 : memref<162500x16xf32, #tpu.memory_space<hbm>>) target(%dma_start3A_49 : memref<128x16xf32, #tpu.memory_space<vmem>>) offsets(%dma_start3A_52 : memref<128xi32, #tpu.memory_space<vmem>>) semaphore(%arg13 : memref<!tpu.dma_semaphore, #tpu.memory_space<semaphore_mem>>)
      %dma_start3A_56 = arith.constant 2 : i32
      %dma_start3A_57 = arith.constant 256 : i32
      %dma_start3A_58 = arith.constant 0 : i32
      %dma_start3A_59 = tpu.memref_slice %arg10[%dma_start3A_57, %dma_start3A_58] : memref<1024x16xf32, #tpu.memory_space<vmem>> -> memref<128x16xf32, #tpu.memory_space<vmem>>
      %dma_start3A_60 = arith.constant 0 : i32
      %dma_start3A_61 = tpu.memref_slice %arg8[%dma_start3A_56, %dma_start3A_60] : memref<8x128xi32, #tpu.memory_space<vmem>> -> memref<1x128xi32, #tpu.memory_space<vmem>>
      %dma_start3A_62 = tpu.memref_squeeze %dma_start3A_61 : memref<1x128xi32, #tpu.memory_space<vmem>> -> memref<128xi32, #tpu.memory_space<vmem>>
      %dma_start3A_63 = arith.constant 0 : i32
      %dma_start3A_64 = arith.constant 0 : i32
      %dma_start3A_65 = tpu.memref_slice %arg2[%dma_start3A_63, %dma_start3A_64] : memref<2600000x16xf32, #tpu.memory_space<hbm>> -> memref<2600000x16xf32, #tpu.memory_space<hbm>>
      tpu.enqueue_indirect_dma source(%dma_start3A_65 : memref<2600000x16xf32, #tpu.memory_space<hbm>>) target(%dma_start3A_59 : memref<128x16xf32, #tpu.memory_space<vmem>>) offsets(%dma_start3A_62 : memref<128xi32, #tpu.memory_space<vmem>>) semaphore(%arg12 : memref<!tpu.dma_semaphore, #tpu.memory_space<semaphore_mem>>)
      %dma_start3A_66 = arith.constant 2 : i32
      %dma_start3A_67 = arith.constant 256 : i32
      %dma_start3A_68 = arith.constant 0 : i32
      %dma_start3A_69 = tpu.memref_slice %arg11[%dma_start3A_67, %dma_start3A_68] : memref<1024x16xf32, #tpu.memory_space<vmem>> -> memref<128x16xf32, #tpu.memory_space<vmem>>
      %dma_start3A_70 = arith.constant 0 : i32
      %dma_start3A_71 = tpu.memref_slice %arg9[%dma_start3A_66, %dma_start3A_70] : memref<8x128xi32, #tpu.memory_space<vmem>> -> memref<1x128xi32, #tpu.memory_space<vmem>>
      %dma_start3A_72 = tpu.memref_squeeze %dma_start3A_71 : memref<1x128xi32, #tpu.memory_space<vmem>> -> memref<128xi32, #tpu.memory_space<vmem>>
      %dma_start3A_73 = arith.constant 0 : i32
      %dma_start3A_74 = arith.constant 0 : i32
      %dma_start3A_75 = tpu.memref_slice %arg3[%dma_start3A_73, %dma_start3A_74] : memref<162500x16xf32, #tpu.memory_space<hbm>> -> memref<162500x16xf32, #tpu.memory_space<hbm>>
      tpu.enqueue_indirect_dma source(%dma_start3A_75 : memref<162500x16xf32, #tpu.memory_space<hbm>>) target(%dma_start3A_69 : memref<128x16xf32, #tpu.memory_space<vmem>>) offsets(%dma_start3A_72 : memref<128xi32, #tpu.memory_space<vmem>>) semaphore(%arg13 : memref<!tpu.dma_semaphore, #tpu.memory_space<semaphore_mem>>)
      %dma_start3A_76 = arith.constant 3 : i32
      %dma_start3A_77 = arith.constant 384 : i32
      %dma_start3A_78 = arith.constant 0 : i32
      %dma_start3A_79 = tpu.memref_slice %arg10[%dma_start3A_77, %dma_start3A_78] : memref<1024x16xf32, #tpu.memory_space<vmem>> -> memref<128x16xf32, #tpu.memory_space<vmem>>
      %dma_start3A_80 = arith.constant 0 : i32
      %dma_start3A_81 = tpu.memref_slice %arg8[%dma_start3A_76, %dma_start3A_80] : memref<8x128xi32, #tpu.memory_space<vmem>> -> memref<1x128xi32, #tpu.memory_space<vmem>>
      %dma_start3A_82 = tpu.memref_squeeze %dma_start3A_81 : memref<1x128xi32, #tpu.memory_space<vmem>> -> memref<128xi32, #tpu.memory_space<vmem>>
      %dma_start3A_83 = arith.constant 0 : i32
      %dma_start3A_84 = arith.constant 0 : i32
      %dma_start3A_85 = tpu.memref_slice %arg2[%dma_start3A_83, %dma_start3A_84] : memref<2600000x16xf32, #tpu.memory_space<hbm>> -> memref<2600000x16xf32, #tpu.memory_space<hbm>>
      tpu.enqueue_indirect_dma source(%dma_start3A_85 : memref<2600000x16xf32, #tpu.memory_space<hbm>>) target(%dma_start3A_79 : memref<128x16xf32, #tpu.memory_space<vmem>>) offsets(%dma_start3A_82 : memref<128xi32, #tpu.memory_space<vmem>>) semaphore(%arg12 : memref<!tpu.dma_semaphore, #tpu.memory_space<semaphore_mem>>)
      %dma_start3A_86 = arith.constant 3 : i32
      %dma_start3A_87 = arith.constant 384 : i32
      %dma_start3A_88 = arith.constant 0 : i32
      %dma_start3A_89 = tpu.memref_slice %arg11[%dma_start3A_87, %dma_start3A_88] : memref<1024x16xf32, #tpu.memory_space<vmem>> -> memref<128x16xf32, #tpu.memory_space<vmem>>
      %dma_start3A_90 = arith.constant 0 : i32
      %dma_start3A_91 = tpu.memref_slice %arg9[%dma_start3A_86, %dma_start3A_90] : memref<8x128xi32, #tpu.memory_space<vmem>> -> memref<1x128xi32, #tpu.memory_space<vmem>>
      %dma_start3A_92 = tpu.memref_squeeze %dma_start3A_91 : memref<1x128xi32, #tpu.memory_space<vmem>> -> memref<128xi32, #tpu.memory_space<vmem>>
      %dma_start3A_93 = arith.constant 0 : i32
      %dma_start3A_94 = arith.constant 0 : i32
      %dma_start3A_95 = tpu.memref_slice %arg3[%dma_start3A_93, %dma_start3A_94] : memref<162500x16xf32, #tpu.memory_space<hbm>> -> memref<162500x16xf32, #tpu.memory_space<hbm>>
      tpu.enqueue_indirect_dma source(%dma_start3A_95 : memref<162500x16xf32, #tpu.memory_space<hbm>>) target(%dma_start3A_89 : memref<128x16xf32, #tpu.memory_space<vmem>>) offsets(%dma_start3A_92 : memref<128xi32, #tpu.memory_space<vmem>>) semaphore(%arg13 : memref<!tpu.dma_semaphore, #tpu.memory_space<semaphore_mem>>)
      %dma_start3A_96 = arith.constant 4 : i32
      %dma_start3A_97 = arith.constant 512 : i32
      %dma_start3A_98 = arith.constant 0 : i32
      %dma_start3A_99 = tpu.memref_slice %arg10[%dma_start3A_97, %dma_start3A_98] : memref<1024x16xf32, #tpu.memory_space<vmem>> -> memref<128x16xf32, #tpu.memory_space<vmem>>
      %dma_start3A_100 = arith.constant 0 : i32
      %dma_start3A_101 = tpu.memref_slice %arg8[%dma_start3A_96, %dma_start3A_100] : memref<8x128xi32, #tpu.memory_space<vmem>> -> memref<1x128xi32, #tpu.memory_space<vmem>>
      %dma_start3A_102 = tpu.memref_squeeze %dma_start3A_101 : memref<1x128xi32, #tpu.memory_space<vmem>> -> memref<128xi32, #tpu.memory_space<vmem>>
      %dma_start3A_103 = arith.constant 0 : i32
      %dma_start3A_104 = arith.constant 0 : i32
      %dma_start3A_105 = tpu.memref_slice %arg2[%dma_start3A_103, %dma_start3A_104] : memref<2600000x16xf32, #tpu.memory_space<hbm>> -> memref<2600000x16xf32, #tpu.memory_space<hbm>>
      tpu.enqueue_indirect_dma source(%dma_start3A_105 : memref<2600000x16xf32, #tpu.memory_space<hbm>>) target(%dma_start3A_99 : memref<128x16xf32, #tpu.memory_space<vmem>>) offsets(%dma_start3A_102 : memref<128xi32, #tpu.memory_space<vmem>>) semaphore(%arg12 : memref<!tpu.dma_semaphore, #tpu.memory_space<semaphore_mem>>)
      %dma_start3A_106 = arith.constant 4 : i32
      %dma_start3A_107 = arith.constant 512 : i32
      %dma_start3A_108 = arith.constant 0 : i32
      %dma_start3A_109 = tpu.memref_slice %arg11[%dma_start3A_107, %dma_start3A_108] : memref<1024x16xf32, #tpu.memory_space<vmem>> -> memref<128x16xf32, #tpu.memory_space<vmem>>
      %dma_start3A_110 = arith.constant 0 : i32
      %dma_start3A_111 = tpu.memref_slice %arg9[%dma_start3A_106, %dma_start3A_110] : memref<8x128xi32, #tpu.memory_space<vmem>> -> memref<1x128xi32, #tpu.memory_space<vmem>>
      %dma_start3A_112 = tpu.memref_squeeze %dma_start3A_111 : memref<1x128xi32, #tpu.memory_space<vmem>> -> memref<128xi32, #tpu.memory_space<vmem>>
      %dma_start3A_113 = arith.constant 0 : i32
      %dma_start3A_114 = arith.constant 0 : i32
      %dma_start3A_115 = tpu.memref_slice %arg3[%dma_start3A_113, %dma_start3A_114] : memref<162500x16xf32, #tpu.memory_space<hbm>> -> memref<162500x16xf32, #tpu.memory_space<hbm>>
      tpu.enqueue_indirect_dma source(%dma_start3A_115 : memref<162500x16xf32, #tpu.memory_space<hbm>>) target(%dma_start3A_109 : memref<128x16xf32, #tpu.memory_space<vmem>>) offsets(%dma_start3A_112 : memref<128xi32, #tpu.memory_space<vmem>>) semaphore(%arg13 : memref<!tpu.dma_semaphore, #tpu.memory_space<semaphore_mem>>)
      %dma_start3A_116 = arith.constant 5 : i32
      %dma_start3A_117 = arith.constant 640 : i32
      %dma_start3A_118 = arith.constant 0 : i32
      %dma_start3A_119 = tpu.memref_slice %arg10[%dma_start3A_117, %dma_start3A_118] : memref<1024x16xf32, #tpu.memory_space<vmem>> -> memref<128x16xf32, #tpu.memory_space<vmem>>
      %dma_start3A_120 = arith.constant 0 : i32
      %dma_start3A_121 = tpu.memref_slice %arg8[%dma_start3A_116, %dma_start3A_120] : memref<8x128xi32, #tpu.memory_space<vmem>> -> memref<1x128xi32, #tpu.memory_space<vmem>>
      %dma_start3A_122 = tpu.memref_squeeze %dma_start3A_121 : memref<1x128xi32, #tpu.memory_space<vmem>> -> memref<128xi32, #tpu.memory_space<vmem>>
      %dma_start3A_123 = arith.constant 0 : i32
      %dma_start3A_124 = arith.constant 0 : i32
      %dma_start3A_125 = tpu.memref_slice %arg2[%dma_start3A_123, %dma_start3A_124] : memref<2600000x16xf32, #tpu.memory_space<hbm>> -> memref<2600000x16xf32, #tpu.memory_space<hbm>>
      tpu.enqueue_indirect_dma source(%dma_start3A_125 : memref<2600000x16xf32, #tpu.memory_space<hbm>>) target(%dma_start3A_119 : memref<128x16xf32, #tpu.memory_space<vmem>>) offsets(%dma_start3A_122 : memref<128xi32, #tpu.memory_space<vmem>>) semaphore(%arg12 : memref<!tpu.dma_semaphore, #tpu.memory_space<semaphore_mem>>)
      %dma_start3A_126 = arith.constant 5 : i32
      %dma_start3A_127 = arith.constant 640 : i32
      %dma_start3A_128 = arith.constant 0 : i32
      %dma_start3A_129 = tpu.memref_slice %arg11[%dma_start3A_127, %dma_start3A_128] : memref<1024x16xf32, #tpu.memory_space<vmem>> -> memref<128x16xf32, #tpu.memory_space<vmem>>
      %dma_start3A_130 = arith.constant 0 : i32
      %dma_start3A_131 = tpu.memref_slice %arg9[%dma_start3A_126, %dma_start3A_130] : memref<8x128xi32, #tpu.memory_space<vmem>> -> memref<1x128xi32, #tpu.memory_space<vmem>>
      %dma_start3A_132 = tpu.memref_squeeze %dma_start3A_131 : memref<1x128xi32, #tpu.memory_space<vmem>> -> memref<128xi32, #tpu.memory_space<vmem>>
      %dma_start3A_133 = arith.constant 0 : i32
      %dma_start3A_134 = arith.constant 0 : i32
      %dma_start3A_135 = tpu.memref_slice %arg3[%dma_start3A_133, %dma_start3A_134] : memref<162500x16xf32, #tpu.memory_space<hbm>> -> memref<162500x16xf32, #tpu.memory_space<hbm>>
      tpu.enqueue_indirect_dma source(%dma_start3A_135 : memref<162500x16xf32, #tpu.memory_space<hbm>>) target(%dma_start3A_129 : memref<128x16xf32, #tpu.memory_space<vmem>>) offsets(%dma_start3A_132 : memref<128xi32, #tpu.memory_space<vmem>>) semaphore(%arg13 : memref<!tpu.dma_semaphore, #tpu.memory_space<semaphore_mem>>)
      %dma_start3A_136 = arith.constant 6 : i32
      %dma_start3A_137 = arith.constant 768 : i32
      %dma_start3A_138 = arith.constant 0 : i32
      %dma_start3A_139 = tpu.memref_slice %arg10[%dma_start3A_137, %dma_start3A_138] : memref<1024x16xf32, #tpu.memory_space<vmem>> -> memref<128x16xf32, #tpu.memory_space<vmem>>
      %dma_start3A_140 = arith.constant 0 : i32
      %dma_start3A_141 = tpu.memref_slice %arg8[%dma_start3A_136, %dma_start3A_140] : memref<8x128xi32, #tpu.memory_space<vmem>> -> memref<1x128xi32, #tpu.memory_space<vmem>>
      %dma_start3A_142 = tpu.memref_squeeze %dma_start3A_141 : memref<1x128xi32, #tpu.memory_space<vmem>> -> memref<128xi32, #tpu.memory_space<vmem>>
      %dma_start3A_143 = arith.constant 0 : i32
      %dma_start3A_144 = arith.constant 0 : i32
      %dma_start3A_145 = tpu.memref_slice %arg2[%dma_start3A_143, %dma_start3A_144] : memref<2600000x16xf32, #tpu.memory_space<hbm>> -> memref<2600000x16xf32, #tpu.memory_space<hbm>>
      tpu.enqueue_indirect_dma source(%dma_start3A_145 : memref<2600000x16xf32, #tpu.memory_space<hbm>>) target(%dma_start3A_139 : memref<128x16xf32, #tpu.memory_space<vmem>>) offsets(%dma_start3A_142 : memref<128xi32, #tpu.memory_space<vmem>>) semaphore(%arg12 : memref<!tpu.dma_semaphore, #tpu.memory_space<semaphore_mem>>)
      %dma_start3A_146 = arith.constant 6 : i32
      %dma_start3A_147 = arith.constant 768 : i32
      %dma_start3A_148 = arith.constant 0 : i32
      %dma_start3A_149 = tpu.memref_slice %arg11[%dma_start3A_147, %dma_start3A_148] : memref<1024x16xf32, #tpu.memory_space<vmem>> -> memref<128x16xf32, #tpu.memory_space<vmem>>
      %dma_start3A_150 = arith.constant 0 : i32
      %dma_start3A_151 = tpu.memref_slice %arg9[%dma_start3A_146, %dma_start3A_150] : memref<8x128xi32, #tpu.memory_space<vmem>> -> memref<1x128xi32, #tpu.memory_space<vmem>>
      %dma_start3A_152 = tpu.memref_squeeze %dma_start3A_151 : memref<1x128xi32, #tpu.memory_space<vmem>> -> memref<128xi32, #tpu.memory_space<vmem>>
      %dma_start3A_153 = arith.constant 0 : i32
      %dma_start3A_154 = arith.constant 0 : i32
      %dma_start3A_155 = tpu.memref_slice %arg3[%dma_start3A_153, %dma_start3A_154] : memref<162500x16xf32, #tpu.memory_space<hbm>> -> memref<162500x16xf32, #tpu.memory_space<hbm>>
      tpu.enqueue_indirect_dma source(%dma_start3A_155 : memref<162500x16xf32, #tpu.memory_space<hbm>>) target(%dma_start3A_149 : memref<128x16xf32, #tpu.memory_space<vmem>>) offsets(%dma_start3A_152 : memref<128xi32, #tpu.memory_space<vmem>>) semaphore(%arg13 : memref<!tpu.dma_semaphore, #tpu.memory_space<semaphore_mem>>)
      %dma_start3A_156 = arith.constant 7 : i32
      %dma_start3A_157 = arith.constant 896 : i32
      %dma_start3A_158 = arith.constant 0 : i32
      %dma_start3A_159 = tpu.memref_slice %arg10[%dma_start3A_157, %dma_start3A_158] : memref<1024x16xf32, #tpu.memory_space<vmem>> -> memref<128x16xf32, #tpu.memory_space<vmem>>
      %dma_start3A_160 = arith.constant 0 : i32
      %dma_start3A_161 = tpu.memref_slice %arg8[%dma_start3A_156, %dma_start3A_160] : memref<8x128xi32, #tpu.memory_space<vmem>> -> memref<1x128xi32, #tpu.memory_space<vmem>>
      %dma_start3A_162 = tpu.memref_squeeze %dma_start3A_161 : memref<1x128xi32, #tpu.memory_space<vmem>> -> memref<128xi32, #tpu.memory_space<vmem>>
      %dma_start3A_163 = arith.constant 0 : i32
      %dma_start3A_164 = arith.constant 0 : i32
      %dma_start3A_165 = tpu.memref_slice %arg2[%dma_start3A_163, %dma_start3A_164] : memref<2600000x16xf32, #tpu.memory_space<hbm>> -> memref<2600000x16xf32, #tpu.memory_space<hbm>>
      tpu.enqueue_indirect_dma source(%dma_start3A_165 : memref<2600000x16xf32, #tpu.memory_space<hbm>>) target(%dma_start3A_159 : memref<128x16xf32, #tpu.memory_space<vmem>>) offsets(%dma_start3A_162 : memref<128xi32, #tpu.memory_space<vmem>>) semaphore(%arg12 : memref<!tpu.dma_semaphore, #tpu.memory_space<semaphore_mem>>)
      %dma_start3A_166 = arith.constant 7 : i32
      %dma_start3A_167 = arith.constant 896 : i32
      %dma_start3A_168 = arith.constant 0 : i32
      %dma_start3A_169 = tpu.memref_slice %arg11[%dma_start3A_167, %dma_start3A_168] : memref<1024x16xf32, #tpu.memory_space<vmem>> -> memref<128x16xf32, #tpu.memory_space<vmem>>
      %dma_start3A_170 = arith.constant 0 : i32
      %dma_start3A_171 = tpu.memref_slice %arg9[%dma_start3A_166, %dma_start3A_170] : memref<8x128xi32, #tpu.memory_space<vmem>> -> memref<1x128xi32, #tpu.memory_space<vmem>>
      %dma_start3A_172 = tpu.memref_squeeze %dma_start3A_171 : memref<1x128xi32, #tpu.memory_space<vmem>> -> memref<128xi32, #tpu.memory_space<vmem>>
      %dma_start3A_173 = arith.constant 0 : i32
      %dma_start3A_174 = arith.constant 0 : i32
      %dma_start3A_175 = tpu.memref_slice %arg3[%dma_start3A_173, %dma_start3A_174] : memref<162500x16xf32, #tpu.memory_space<hbm>> -> memref<162500x16xf32, #tpu.memory_space<hbm>>
      tpu.enqueue_indirect_dma source(%dma_start3A_175 : memref<162500x16xf32, #tpu.memory_space<hbm>>) target(%dma_start3A_169 : memref<128x16xf32, #tpu.memory_space<vmem>>) offsets(%dma_start3A_172 : memref<128xi32, #tpu.memory_space<vmem>>) semaphore(%arg13 : memref<!tpu.dma_semaphore, #tpu.memory_space<semaphore_mem>>)
      %dma_wait3A = arith.constant 0 : i32
      %dma_wait3A_176 = arith.constant 0 : i32
      %dma_wait3A_177 = arith.constant 0 : i32
      %dma_wait3A_178 = tpu.memref_slice %arg10[%dma_wait3A_176, %dma_wait3A_177] : memref<1024x16xf32, #tpu.memory_space<vmem>> -> memref<128x16xf32, #tpu.memory_space<vmem>>
      %dma_wait3A_179 = arith.constant 0 : i32
      %dma_wait3A_180 = tpu.memref_slice %arg8[%dma_wait3A, %dma_wait3A_179] : memref<8x128xi32, #tpu.memory_space<vmem>> -> memref<1x128xi32, #tpu.memory_space<vmem>>
      %dma_wait3A_181 = tpu.memref_squeeze %dma_wait3A_180 : memref<1x128xi32, #tpu.memory_space<vmem>> -> memref<128xi32, #tpu.memory_space<vmem>>
      %dma_wait3A_182 = arith.constant 0 : i32
      %dma_wait3A_183 = arith.constant 0 : i32
      %dma_wait3A_184 = tpu.memref_slice %arg2[%dma_wait3A_182, %dma_wait3A_183] : memref<2600000x16xf32, #tpu.memory_space<hbm>> -> memref<2600000x16xf32, #tpu.memory_space<hbm>>
      tpu.wait_indirect_dma semaphore(%arg12 : memref<!tpu.dma_semaphore, #tpu.memory_space<semaphore_mem>>) src(%dma_wait3A_184 : memref<2600000x16xf32, #tpu.memory_space<hbm>>) dst(%dma_wait3A_178 : memref<128x16xf32, #tpu.memory_space<vmem>>)
      %dma_wait3A_185 = arith.constant 0 : i32
      %dma_wait3A_186 = arith.constant 0 : i32
      %dma_wait3A_187 = arith.constant 0 : i32
      %dma_wait3A_188 = tpu.memref_slice %arg11[%dma_wait3A_186, %dma_wait3A_187] : memref<1024x16xf32, #tpu.memory_space<vmem>> -> memref<128x16xf32, #tpu.memory_space<vmem>>
      %dma_wait3A_189 = arith.constant 0 : i32
      %dma_wait3A_190 = tpu.memref_slice %arg9[%dma_wait3A_185, %dma_wait3A_189] : memref<8x128xi32, #tpu.memory_space<vmem>> -> memref<1x128xi32, #tpu.memory_space<vmem>>
      %dma_wait3A_191 = tpu.memref_squeeze %dma_wait3A_190 : memref<1x128xi32, #tpu.memory_space<vmem>> -> memref<128xi32, #tpu.memory_space<vmem>>
      %dma_wait3A_192 = arith.constant 0 : i32
      %dma_wait3A_193 = arith.constant 0 : i32
      %dma_wait3A_194 = tpu.memref_slice %arg3[%dma_wait3A_192, %dma_wait3A_193] : memref<162500x16xf32, #tpu.memory_space<hbm>> -> memref<162500x16xf32, #tpu.memory_space<hbm>>
      tpu.wait_indirect_dma semaphore(%arg13 : memref<!tpu.dma_semaphore, #tpu.memory_space<semaphore_mem>>) src(%dma_wait3A_194 : memref<162500x16xf32, #tpu.memory_space<hbm>>) dst(%dma_wait3A_188 : memref<128x16xf32, #tpu.memory_space<vmem>>)
      %dma_wait3A_195 = arith.constant 1 : i32
      %dma_wait3A_196 = arith.constant 128 : i32
      %dma_wait3A_197 = arith.constant 0 : i32
      %dma_wait3A_198 = tpu.memref_slice %arg10[%dma_wait3A_196, %dma_wait3A_197] : memref<1024x16xf32, #tpu.memory_space<vmem>> -> memref<128x16xf32, #tpu.memory_space<vmem>>
      %dma_wait3A_199 = arith.constant 0 : i32
      %dma_wait3A_200 = tpu.memref_slice %arg8[%dma_wait3A_195, %dma_wait3A_199] : memref<8x128xi32, #tpu.memory_space<vmem>> -> memref<1x128xi32, #tpu.memory_space<vmem>>
      %dma_wait3A_201 = tpu.memref_squeeze %dma_wait3A_200 : memref<1x128xi32, #tpu.memory_space<vmem>> -> memref<128xi32, #tpu.memory_space<vmem>>
      %dma_wait3A_202 = arith.constant 0 : i32
      %dma_wait3A_203 = arith.constant 0 : i32
      %dma_wait3A_204 = tpu.memref_slice %arg2[%dma_wait3A_202, %dma_wait3A_203] : memref<2600000x16xf32, #tpu.memory_space<hbm>> -> memref<2600000x16xf32, #tpu.memory_space<hbm>>
      tpu.wait_indirect_dma semaphore(%arg12 : memref<!tpu.dma_semaphore, #tpu.memory_space<semaphore_mem>>) src(%dma_wait3A_204 : memref<2600000x16xf32, #tpu.memory_space<hbm>>) dst(%dma_wait3A_198 : memref<128x16xf32, #tpu.memory_space<vmem>>)
      %dma_wait3A_205 = arith.constant 1 : i32
      %dma_wait3A_206 = arith.constant 128 : i32
      %dma_wait3A_207 = arith.constant 0 : i32
      %dma_wait3A_208 = tpu.memref_slice %arg11[%dma_wait3A_206, %dma_wait3A_207] : memref<1024x16xf32, #tpu.memory_space<vmem>> -> memref<128x16xf32, #tpu.memory_space<vmem>>
      %dma_wait3A_209 = arith.constant 0 : i32
      %dma_wait3A_210 = tpu.memref_slice %arg9[%dma_wait3A_205, %dma_wait3A_209] : memref<8x128xi32, #tpu.memory_space<vmem>> -> memref<1x128xi32, #tpu.memory_space<vmem>>
      %dma_wait3A_211 = tpu.memref_squeeze %dma_wait3A_210 : memref<1x128xi32, #tpu.memory_space<vmem>> -> memref<128xi32, #tpu.memory_space<vmem>>
      %dma_wait3A_212 = arith.constant 0 : i32
      %dma_wait3A_213 = arith.constant 0 : i32
      %dma_wait3A_214 = tpu.memref_slice %arg3[%dma_wait3A_212, %dma_wait3A_213] : memref<162500x16xf32, #tpu.memory_space<hbm>> -> memref<162500x16xf32, #tpu.memory_space<hbm>>
      tpu.wait_indirect_dma semaphore(%arg13 : memref<!tpu.dma_semaphore, #tpu.memory_space<semaphore_mem>>) src(%dma_wait3A_214 : memref<162500x16xf32, #tpu.memory_space<hbm>>) dst(%dma_wait3A_208 : memref<128x16xf32, #tpu.memory_space<vmem>>)
      %dma_wait3A_215 = arith.constant 2 : i32
      %dma_wait3A_216 = arith.constant 256 : i32
      %dma_wait3A_217 = arith.constant 0 : i32
      %dma_wait3A_218 = tpu.memref_slice %arg10[%dma_wait3A_216, %dma_wait3A_217] : memref<1024x16xf32, #tpu.memory_space<vmem>> -> memref<128x16xf32, #tpu.memory_space<vmem>>
      %dma_wait3A_219 = arith.constant 0 : i32
      %dma_wait3A_220 = tpu.memref_slice %arg8[%dma_wait3A_215, %dma_wait3A_219] : memref<8x128xi32, #tpu.memory_space<vmem>> -> memref<1x128xi32, #tpu.memory_space<vmem>>
      %dma_wait3A_221 = tpu.memref_squeeze %dma_wait3A_220 : memref<1x128xi32, #tpu.memory_space<vmem>> -> memref<128xi32, #tpu.memory_space<vmem>>
      %dma_wait3A_222 = arith.constant 0 : i32
      %dma_wait3A_223 = arith.constant 0 : i32
      %dma_wait3A_224 = tpu.memref_slice %arg2[%dma_wait3A_222, %dma_wait3A_223] : memref<2600000x16xf32, #tpu.memory_space<hbm>> -> memref<2600000x16xf32, #tpu.memory_space<hbm>>
      tpu.wait_indirect_dma semaphore(%arg12 : memref<!tpu.dma_semaphore, #tpu.memory_space<semaphore_mem>>) src(%dma_wait3A_224 : memref<2600000x16xf32, #tpu.memory_space<hbm>>) dst(%dma_wait3A_218 : memref<128x16xf32, #tpu.memory_space<vmem>>)
      %dma_wait3A_225 = arith.constant 2 : i32
      %dma_wait3A_226 = arith.constant 256 : i32
      %dma_wait3A_227 = arith.constant 0 : i32
      %dma_wait3A_228 = tpu.memref_slice %arg11[%dma_wait3A_226, %dma_wait3A_227] : memref<1024x16xf32, #tpu.memory_space<vmem>> -> memref<128x16xf32, #tpu.memory_space<vmem>>
      %dma_wait3A_229 = arith.constant 0 : i32
      %dma_wait3A_230 = tpu.memref_slice %arg9[%dma_wait3A_225, %dma_wait3A_229] : memref<8x128xi32, #tpu.memory_space<vmem>> -> memref<1x128xi32, #tpu.memory_space<vmem>>
      %dma_wait3A_231 = tpu.memref_squeeze %dma_wait3A_230 : memref<1x128xi32, #tpu.memory_space<vmem>> -> memref<128xi32, #tpu.memory_space<vmem>>
      %dma_wait3A_232 = arith.constant 0 : i32
      %dma_wait3A_233 = arith.constant 0 : i32
      %dma_wait3A_234 = tpu.memref_slice %arg3[%dma_wait3A_232, %dma_wait3A_233] : memref<162500x16xf32, #tpu.memory_space<hbm>> -> memref<162500x16xf32, #tpu.memory_space<hbm>>
      tpu.wait_indirect_dma semaphore(%arg13 : memref<!tpu.dma_semaphore, #tpu.memory_space<semaphore_mem>>) src(%dma_wait3A_234 : memref<162500x16xf32, #tpu.memory_space<hbm>>) dst(%dma_wait3A_228 : memref<128x16xf32, #tpu.memory_space<vmem>>)
      %dma_wait3A_235 = arith.constant 3 : i32
      %dma_wait3A_236 = arith.constant 384 : i32
      %dma_wait3A_237 = arith.constant 0 : i32
      %dma_wait3A_238 = tpu.memref_slice %arg10[%dma_wait3A_236, %dma_wait3A_237] : memref<1024x16xf32, #tpu.memory_space<vmem>> -> memref<128x16xf32, #tpu.memory_space<vmem>>
      %dma_wait3A_239 = arith.constant 0 : i32
      %dma_wait3A_240 = tpu.memref_slice %arg8[%dma_wait3A_235, %dma_wait3A_239] : memref<8x128xi32, #tpu.memory_space<vmem>> -> memref<1x128xi32, #tpu.memory_space<vmem>>
      %dma_wait3A_241 = tpu.memref_squeeze %dma_wait3A_240 : memref<1x128xi32, #tpu.memory_space<vmem>> -> memref<128xi32, #tpu.memory_space<vmem>>
      %dma_wait3A_242 = arith.constant 0 : i32
      %dma_wait3A_243 = arith.constant 0 : i32
      %dma_wait3A_244 = tpu.memref_slice %arg2[%dma_wait3A_242, %dma_wait3A_243] : memref<2600000x16xf32, #tpu.memory_space<hbm>> -> memref<2600000x16xf32, #tpu.memory_space<hbm>>
      tpu.wait_indirect_dma semaphore(%arg12 : memref<!tpu.dma_semaphore, #tpu.memory_space<semaphore_mem>>) src(%dma_wait3A_244 : memref<2600000x16xf32, #tpu.memory_space<hbm>>) dst(%dma_wait3A_238 : memref<128x16xf32, #tpu.memory_space<vmem>>)
      %dma_wait3A_245 = arith.constant 3 : i32
      %dma_wait3A_246 = arith.constant 384 : i32
      %dma_wait3A_247 = arith.constant 0 : i32
      %dma_wait3A_248 = tpu.memref_slice %arg11[%dma_wait3A_246, %dma_wait3A_247] : memref<1024x16xf32, #tpu.memory_space<vmem>> -> memref<128x16xf32, #tpu.memory_space<vmem>>
      %dma_wait3A_249 = arith.constant 0 : i32
      %dma_wait3A_250 = tpu.memref_slice %arg9[%dma_wait3A_245, %dma_wait3A_249] : memref<8x128xi32, #tpu.memory_space<vmem>> -> memref<1x128xi32, #tpu.memory_space<vmem>>
      %dma_wait3A_251 = tpu.memref_squeeze %dma_wait3A_250 : memref<1x128xi32, #tpu.memory_space<vmem>> -> memref<128xi32, #tpu.memory_space<vmem>>
      %dma_wait3A_252 = arith.constant 0 : i32
      %dma_wait3A_253 = arith.constant 0 : i32
      %dma_wait3A_254 = tpu.memref_slice %arg3[%dma_wait3A_252, %dma_wait3A_253] : memref<162500x16xf32, #tpu.memory_space<hbm>> -> memref<162500x16xf32, #tpu.memory_space<hbm>>
      tpu.wait_indirect_dma semaphore(%arg13 : memref<!tpu.dma_semaphore, #tpu.memory_space<semaphore_mem>>) src(%dma_wait3A_254 : memref<162500x16xf32, #tpu.memory_space<hbm>>) dst(%dma_wait3A_248 : memref<128x16xf32, #tpu.memory_space<vmem>>)
      %dma_wait3A_255 = arith.constant 4 : i32
      %dma_wait3A_256 = arith.constant 512 : i32
      %dma_wait3A_257 = arith.constant 0 : i32
      %dma_wait3A_258 = tpu.memref_slice %arg10[%dma_wait3A_256, %dma_wait3A_257] : memref<1024x16xf32, #tpu.memory_space<vmem>> -> memref<128x16xf32, #tpu.memory_space<vmem>>
      %dma_wait3A_259 = arith.constant 0 : i32
      %dma_wait3A_260 = tpu.memref_slice %arg8[%dma_wait3A_255, %dma_wait3A_259] : memref<8x128xi32, #tpu.memory_space<vmem>> -> memref<1x128xi32, #tpu.memory_space<vmem>>
      %dma_wait3A_261 = tpu.memref_squeeze %dma_wait3A_260 : memref<1x128xi32, #tpu.memory_space<vmem>> -> memref<128xi32, #tpu.memory_space<vmem>>
      %dma_wait3A_262 = arith.constant 0 : i32
      %dma_wait3A_263 = arith.constant 0 : i32
      %dma_wait3A_264 = tpu.memref_slice %arg2[%dma_wait3A_262, %dma_wait3A_263] : memref<2600000x16xf32, #tpu.memory_space<hbm>> -> memref<2600000x16xf32, #tpu.memory_space<hbm>>
      tpu.wait_indirect_dma semaphore(%arg12 : memref<!tpu.dma_semaphore, #tpu.memory_space<semaphore_mem>>) src(%dma_wait3A_264 : memref<2600000x16xf32, #tpu.memory_space<hbm>>) dst(%dma_wait3A_258 : memref<128x16xf32, #tpu.memory_space<vmem>>)
      %dma_wait3A_265 = arith.constant 4 : i32
      %dma_wait3A_266 = arith.constant 512 : i32
      %dma_wait3A_267 = arith.constant 0 : i32
      %dma_wait3A_268 = tpu.memref_slice %arg11[%dma_wait3A_266, %dma_wait3A_267] : memref<1024x16xf32, #tpu.memory_space<vmem>> -> memref<128x16xf32, #tpu.memory_space<vmem>>
      %dma_wait3A_269 = arith.constant 0 : i32
      %dma_wait3A_270 = tpu.memref_slice %arg9[%dma_wait3A_265, %dma_wait3A_269] : memref<8x128xi32, #tpu.memory_space<vmem>> -> memref<1x128xi32, #tpu.memory_space<vmem>>
      %dma_wait3A_271 = tpu.memref_squeeze %dma_wait3A_270 : memref<1x128xi32, #tpu.memory_space<vmem>> -> memref<128xi32, #tpu.memory_space<vmem>>
      %dma_wait3A_272 = arith.constant 0 : i32
      %dma_wait3A_273 = arith.constant 0 : i32
      %dma_wait3A_274 = tpu.memref_slice %arg3[%dma_wait3A_272, %dma_wait3A_273] : memref<162500x16xf32, #tpu.memory_space<hbm>> -> memref<162500x16xf32, #tpu.memory_space<hbm>>
      tpu.wait_indirect_dma semaphore(%arg13 : memref<!tpu.dma_semaphore, #tpu.memory_space<semaphore_mem>>) src(%dma_wait3A_274 : memref<162500x16xf32, #tpu.memory_space<hbm>>) dst(%dma_wait3A_268 : memref<128x16xf32, #tpu.memory_space<vmem>>)
      %dma_wait3A_275 = arith.constant 5 : i32
      %dma_wait3A_276 = arith.constant 640 : i32
      %dma_wait3A_277 = arith.constant 0 : i32
      %dma_wait3A_278 = tpu.memref_slice %arg10[%dma_wait3A_276, %dma_wait3A_277] : memref<1024x16xf32, #tpu.memory_space<vmem>> -> memref<128x16xf32, #tpu.memory_space<vmem>>
      %dma_wait3A_279 = arith.constant 0 : i32
      %dma_wait3A_280 = tpu.memref_slice %arg8[%dma_wait3A_275, %dma_wait3A_279] : memref<8x128xi32, #tpu.memory_space<vmem>> -> memref<1x128xi32, #tpu.memory_space<vmem>>
      %dma_wait3A_281 = tpu.memref_squeeze %dma_wait3A_280 : memref<1x128xi32, #tpu.memory_space<vmem>> -> memref<128xi32, #tpu.memory_space<vmem>>
      %dma_wait3A_282 = arith.constant 0 : i32
      %dma_wait3A_283 = arith.constant 0 : i32
      %dma_wait3A_284 = tpu.memref_slice %arg2[%dma_wait3A_282, %dma_wait3A_283] : memref<2600000x16xf32, #tpu.memory_space<hbm>> -> memref<2600000x16xf32, #tpu.memory_space<hbm>>
      tpu.wait_indirect_dma semaphore(%arg12 : memref<!tpu.dma_semaphore, #tpu.memory_space<semaphore_mem>>) src(%dma_wait3A_284 : memref<2600000x16xf32, #tpu.memory_space<hbm>>) dst(%dma_wait3A_278 : memref<128x16xf32, #tpu.memory_space<vmem>>)
      %dma_wait3A_285 = arith.constant 5 : i32
      %dma_wait3A_286 = arith.constant 640 : i32
      %dma_wait3A_287 = arith.constant 0 : i32
      %dma_wait3A_288 = tpu.memref_slice %arg11[%dma_wait3A_286, %dma_wait3A_287] : memref<1024x16xf32, #tpu.memory_space<vmem>> -> memref<128x16xf32, #tpu.memory_space<vmem>>
      %dma_wait3A_289 = arith.constant 0 : i32
      %dma_wait3A_290 = tpu.memref_slice %arg9[%dma_wait3A_285, %dma_wait3A_289] : memref<8x128xi32, #tpu.memory_space<vmem>> -> memref<1x128xi32, #tpu.memory_space<vmem>>
      %dma_wait3A_291 = tpu.memref_squeeze %dma_wait3A_290 : memref<1x128xi32, #tpu.memory_space<vmem>> -> memref<128xi32, #tpu.memory_space<vmem>>
      %dma_wait3A_292 = arith.constant 0 : i32
      %dma_wait3A_293 = arith.constant 0 : i32
      %dma_wait3A_294 = tpu.memref_slice %arg3[%dma_wait3A_292, %dma_wait3A_293] : memref<162500x16xf32, #tpu.memory_space<hbm>> -> memref<162500x16xf32, #tpu.memory_space<hbm>>
      tpu.wait_indirect_dma semaphore(%arg13 : memref<!tpu.dma_semaphore, #tpu.memory_space<semaphore_mem>>) src(%dma_wait3A_294 : memref<162500x16xf32, #tpu.memory_space<hbm>>) dst(%dma_wait3A_288 : memref<128x16xf32, #tpu.memory_space<vmem>>)
      %dma_wait3A_295 = arith.constant 6 : i32
      %dma_wait3A_296 = arith.constant 768 : i32
      %dma_wait3A_297 = arith.constant 0 : i32
      %dma_wait3A_298 = tpu.memref_slice %arg10[%dma_wait3A_296, %dma_wait3A_297] : memref<1024x16xf32, #tpu.memory_space<vmem>> -> memref<128x16xf32, #tpu.memory_space<vmem>>
      %dma_wait3A_299 = arith.constant 0 : i32
      %dma_wait3A_300 = tpu.memref_slice %arg8[%dma_wait3A_295, %dma_wait3A_299] : memref<8x128xi32, #tpu.memory_space<vmem>> -> memref<1x128xi32, #tpu.memory_space<vmem>>
      %dma_wait3A_301 = tpu.memref_squeeze %dma_wait3A_300 : memref<1x128xi32, #tpu.memory_space<vmem>> -> memref<128xi32, #tpu.memory_space<vmem>>
      %dma_wait3A_302 = arith.constant 0 : i32
      %dma_wait3A_303 = arith.constant 0 : i32
      %dma_wait3A_304 = tpu.memref_slice %arg2[%dma_wait3A_302, %dma_wait3A_303] : memref<2600000x16xf32, #tpu.memory_space<hbm>> -> memref<2600000x16xf32, #tpu.memory_space<hbm>>
      tpu.wait_indirect_dma semaphore(%arg12 : memref<!tpu.dma_semaphore, #tpu.memory_space<semaphore_mem>>) src(%dma_wait3A_304 : memref<2600000x16xf32, #tpu.memory_space<hbm>>) dst(%dma_wait3A_298 : memref<128x16xf32, #tpu.memory_space<vmem>>)
      %dma_wait3A_305 = arith.constant 6 : i32
      %dma_wait3A_306 = arith.constant 768 : i32
      %dma_wait3A_307 = arith.constant 0 : i32
      %dma_wait3A_308 = tpu.memref_slice %arg11[%dma_wait3A_306, %dma_wait3A_307] : memref<1024x16xf32, #tpu.memory_space<vmem>> -> memref<128x16xf32, #tpu.memory_space<vmem>>
      %dma_wait3A_309 = arith.constant 0 : i32
      %dma_wait3A_310 = tpu.memref_slice %arg9[%dma_wait3A_305, %dma_wait3A_309] : memref<8x128xi32, #tpu.memory_space<vmem>> -> memref<1x128xi32, #tpu.memory_space<vmem>>
      %dma_wait3A_311 = tpu.memref_squeeze %dma_wait3A_310 : memref<1x128xi32, #tpu.memory_space<vmem>> -> memref<128xi32, #tpu.memory_space<vmem>>
      %dma_wait3A_312 = arith.constant 0 : i32
      %dma_wait3A_313 = arith.constant 0 : i32
      %dma_wait3A_314 = tpu.memref_slice %arg3[%dma_wait3A_312, %dma_wait3A_313] : memref<162500x16xf32, #tpu.memory_space<hbm>> -> memref<162500x16xf32, #tpu.memory_space<hbm>>
      tpu.wait_indirect_dma semaphore(%arg13 : memref<!tpu.dma_semaphore, #tpu.memory_space<semaphore_mem>>) src(%dma_wait3A_314 : memref<162500x16xf32, #tpu.memory_space<hbm>>) dst(%dma_wait3A_308 : memref<128x16xf32, #tpu.memory_space<vmem>>)
      %dma_wait3A_315 = arith.constant 7 : i32
      %dma_wait3A_316 = arith.constant 896 : i32
      %dma_wait3A_317 = arith.constant 0 : i32
      %dma_wait3A_318 = tpu.memref_slice %arg10[%dma_wait3A_316, %dma_wait3A_317] : memref<1024x16xf32, #tpu.memory_space<vmem>> -> memref<128x16xf32, #tpu.memory_space<vmem>>
      %dma_wait3A_319 = arith.constant 0 : i32
      %dma_wait3A_320 = tpu.memref_slice %arg8[%dma_wait3A_315, %dma_wait3A_319] : memref<8x128xi32, #tpu.memory_space<vmem>> -> memref<1x128xi32, #tpu.memory_space<vmem>>
      %dma_wait3A_321 = tpu.memref_squeeze %dma_wait3A_320 : memref<1x128xi32, #tpu.memory_space<vmem>> -> memref<128xi32, #tpu.memory_space<vmem>>
      %dma_wait3A_322 = arith.constant 0 : i32
      %dma_wait3A_323 = arith.constant 0 : i32
      %dma_wait3A_324 = tpu.memref_slice %arg2[%dma_wait3A_322, %dma_wait3A_323] : memref<2600000x16xf32, #tpu.memory_space<hbm>> -> memref<2600000x16xf32, #tpu.memory_space<hbm>>
      tpu.wait_indirect_dma semaphore(%arg12 : memref<!tpu.dma_semaphore, #tpu.memory_space<semaphore_mem>>) src(%dma_wait3A_324 : memref<2600000x16xf32, #tpu.memory_space<hbm>>) dst(%dma_wait3A_318 : memref<128x16xf32, #tpu.memory_space<vmem>>)
      %dma_wait3A_325 = arith.constant 7 : i32
      %dma_wait3A_326 = arith.constant 896 : i32
      %dma_wait3A_327 = arith.constant 0 : i32
      %dma_wait3A_328 = tpu.memref_slice %arg11[%dma_wait3A_326, %dma_wait3A_327] : memref<1024x16xf32, #tpu.memory_space<vmem>> -> memref<128x16xf32, #tpu.memory_space<vmem>>
      %dma_wait3A_329 = arith.constant 0 : i32
      %dma_wait3A_330 = tpu.memref_slice %arg9[%dma_wait3A_325, %dma_wait3A_329] : memref<8x128xi32, #tpu.memory_space<vmem>> -> memref<1x128xi32, #tpu.memory_space<vmem>>
      %dma_wait3A_331 = tpu.memref_squeeze %dma_wait3A_330 : memref<1x128xi32, #tpu.memory_space<vmem>> -> memref<128xi32, #tpu.memory_space<vmem>>
      %dma_wait3A_332 = arith.constant 0 : i32
      %dma_wait3A_333 = arith.constant 0 : i32
      %dma_wait3A_334 = tpu.memref_slice %arg3[%dma_wait3A_332, %dma_wait3A_333] : memref<162500x16xf32, #tpu.memory_space<hbm>> -> memref<162500x16xf32, #tpu.memory_space<hbm>>
      tpu.wait_indirect_dma semaphore(%arg13 : memref<!tpu.dma_semaphore, #tpu.memory_space<semaphore_mem>>) src(%dma_wait3A_334 : memref<162500x16xf32, #tpu.memory_space<hbm>>) dst(%dma_wait3A_328 : memref<128x16xf32, #tpu.memory_space<vmem>>)
      "tpu.region"() ({
        %run_scoped3A = tpu.sem_alloc : memref<!tpu.dma_semaphore, #tpu.memory_space<semaphore_mem>>
        %dma_start3A_335 = arith.constant 0 : i32
        %dma_start3A_336 = tpu.memref_slice %arg6[%add3A_16, %dma_start3A_335] : memref<425984x16xf32, #tpu.memory_space<hbm>> -> memref<1024x16xf32, #tpu.memory_space<hbm>>
        %dma_start3A_337 = arith.constant 0 : i32
        %dma_start3A_338 = tpu.memref_slice %arg6[%add3A_16, %dma_start3A_337] : memref<425984x16xf32, #tpu.memory_space<hbm>> -> memref<1024x16xf32, #tpu.memory_space<hbm>>
        tpu.enqueue_dma source(%arg10 : memref<1024x16xf32, #tpu.memory_space<vmem>>) target(%dma_start3A_338 : memref<1024x16xf32, #tpu.memory_space<hbm>>) target_semaphore(%run_scoped3A : memref<!tpu.dma_semaphore, #tpu.memory_space<semaphore_mem>>)
        %dma_wait3A_339 = arith.constant 0 : i32
        %dma_wait3A_340 = tpu.memref_slice %arg6[%add3A_16, %dma_wait3A_339] : memref<425984x16xf32, #tpu.memory_space<hbm>> -> memref<1024x16xf32, #tpu.memory_space<hbm>>
        %dma_wait3A_341 = arith.constant 0 : i32
        %dma_wait3A_342 = tpu.memref_slice %arg6[%add3A_16, %dma_wait3A_341] : memref<425984x16xf32, #tpu.memory_space<hbm>> -> memref<1024x16xf32, #tpu.memory_space<hbm>>
        tpu.wait_dma2 semaphore(%run_scoped3A : memref<!tpu.dma_semaphore, #tpu.memory_space<semaphore_mem>>) src(%arg10 : memref<1024x16xf32, #tpu.memory_space<vmem>>) dst(%dma_wait3A_342 : memref<1024x16xf32, #tpu.memory_space<hbm>>)
        tpu.yield
      }) : () -> ()
      "tpu.region"() ({
        %run_scoped3A = tpu.sem_alloc : memref<!tpu.dma_semaphore, #tpu.memory_space<semaphore_mem>>
        %dma_start3A_335 = arith.constant 0 : i32
        %dma_start3A_336 = tpu.memref_slice %arg7[%add3A_16, %dma_start3A_335] : memref<425984x16xf32, #tpu.memory_space<hbm>> -> memref<1024x16xf32, #tpu.memory_space<hbm>>
        %dma_start3A_337 = arith.constant 0 : i32
        %dma_start3A_338 = tpu.memref_slice %arg7[%add3A_16, %dma_start3A_337] : memref<425984x16xf32, #tpu.memory_space<hbm>> -> memref<1024x16xf32, #tpu.memory_space<hbm>>
        tpu.enqueue_dma source(%arg11 : memref<1024x16xf32, #tpu.memory_space<vmem>>) target(%dma_start3A_338 : memref<1024x16xf32, #tpu.memory_space<hbm>>) target_semaphore(%run_scoped3A : memref<!tpu.dma_semaphore, #tpu.memory_space<semaphore_mem>>)
        %dma_wait3A_339 = arith.constant 0 : i32
        %dma_wait3A_340 = tpu.memref_slice %arg7[%add3A_16, %dma_wait3A_339] : memref<425984x16xf32, #tpu.memory_space<hbm>> -> memref<1024x16xf32, #tpu.memory_space<hbm>>
        %dma_wait3A_341 = arith.constant 0 : i32
        %dma_wait3A_342 = tpu.memref_slice %arg7[%add3A_16, %dma_wait3A_341] : memref<425984x16xf32, #tpu.memory_space<hbm>> -> memref<1024x16xf32, #tpu.memory_space<hbm>>
        tpu.wait_dma2 semaphore(%run_scoped3A : memref<!tpu.dma_semaphore, #tpu.memory_space<semaphore_mem>>) src(%arg11 : memref<1024x16xf32, #tpu.memory_space<vmem>>) dst(%dma_wait3A_342 : memref<1024x16xf32, #tpu.memory_space<hbm>>)
        tpu.yield
      }) : () -> ()
    }
    %scan3A_9 = arith.constant 13 : i32
    return
  }
}

module attributes {stable_mosaic.version = 14 : i64} {
  func.func @_tc_body(%arg0: i32, %arg1: memref<512x13xf32, #tpu.memory_space<vmem>>, %arg2: memref<512x416xf32, #tpu.memory_space<vmem>>, %arg3: memref<512x416xf32, #tpu.memory_space<vmem>>, %arg4: memref<512x26xf32, #tpu.memory_space<vmem>>, %arg5: memref<26x416xf32, #tpu.memory_space<vmem>>, %arg6: memref<1x416xf32, #tpu.memory_space<vmem>>, %arg7: memref<13x208xf32, #tpu.memory_space<vmem>>, %arg8: memref<1x208xf32, #tpu.memory_space<vmem>>, %arg9: memref<1x13xf32, #tpu.memory_space<vmem>>, %arg10: memref<1x1xf32, #tpu.memory_space<vmem>>, %arg11: memref<16x16xf32, #tpu.memory_space<vmem>>, %arg12: memref<1x16xf32, #tpu.memory_space<vmem>>, %arg13: memref<16x11856xf32, #tpu.memory_space<vmem>>, %arg14: memref<624x16xf32, #tpu.memory_space<vmem>>, %arg15: memref<1x16xf32, #tpu.memory_space<vmem>>, %arg16: memref<1x1xf32, #tpu.memory_space<vmem>>, %arg17: memref<1x2xf32, #tpu.memory_space<vmem>>, %arg18: memref<1x1xf32, #tpu.memory_space<vmem>>, %arg19: memref<512x1xf32, #tpu.memory_space<vmem>>) attributes {dimension_semantics = [#tpu.dimension_semantics<arbitrary>], iteration_bounds = array<i64: 32>, scalar_prefetch = 0 : i64, scratch_operands = 0 : i64, tpu.core_type = #tpu.core_type<tc>, window_params = [{transform_indices = @transform_0, window_bounds = array<i64: 512, 13>}, {transform_indices = @transform_1, window_bounds = array<i64: 512, 416>}, {transform_indices = @transform_2, window_bounds = array<i64: 512, 416>}, {transform_indices = @transform_3, window_bounds = array<i64: 512, 26>}, {pipeline_mode = #tpu.pipeline_mode<synchronous>, transform_indices = @transform_4, window_bounds = array<i64: 26, 416>}, {pipeline_mode = #tpu.pipeline_mode<synchronous>, transform_indices = @transform_5, window_bounds = array<i64: 1, 416>}, {pipeline_mode = #tpu.pipeline_mode<synchronous>, transform_indices = @transform_6, window_bounds = array<i64: 13, 208>}, {pipeline_mode = #tpu.pipeline_mode<synchronous>, transform_indices = @transform_7, window_bounds = array<i64: 1, 208>}, {pipeline_mode = #tpu.pipeline_mode<synchronous>, transform_indices = @transform_8, window_bounds = array<i64: 1, 13>}, {pipeline_mode = #tpu.pipeline_mode<synchronous>, transform_indices = @transform_9, window_bounds = array<i64: 1, 1>}, {pipeline_mode = #tpu.pipeline_mode<synchronous>, transform_indices = @transform_10, window_bounds = array<i64: 16, 16>}, {pipeline_mode = #tpu.pipeline_mode<synchronous>, transform_indices = @transform_11, window_bounds = array<i64: 1, 16>}, {pipeline_mode = #tpu.pipeline_mode<synchronous>, transform_indices = @transform_12, window_bounds = array<i64: 16, 11856>}, {pipeline_mode = #tpu.pipeline_mode<synchronous>, transform_indices = @transform_13, window_bounds = array<i64: 624, 16>}, {pipeline_mode = #tpu.pipeline_mode<synchronous>, transform_indices = @transform_14, window_bounds = array<i64: 1, 16>}, {pipeline_mode = #tpu.pipeline_mode<synchronous>, transform_indices = @transform_15, window_bounds = array<i64: 1, 1>}, {pipeline_mode = #tpu.pipeline_mode<synchronous>, transform_indices = @transform_16, window_bounds = array<i64: 1, 2>}, {pipeline_mode = #tpu.pipeline_mode<synchronous>, transform_indices = @transform_17, window_bounds = array<i64: 1, 1>}, {transform_indices = @transform_18, window_bounds = array<i64: 512, 1>}]} {
    %get3A = arith.constant 0 : index
    %get3A_0 = arith.constant 0 : index
    %get3A_1 = vector.load %arg1[%get3A, %get3A_0] : memref<512x13xf32, #tpu.memory_space<vmem>>, vector<512x13xf32>
    %get3A_2 = arith.constant 0 : index
    %get3A_3 = arith.constant 0 : index
    %get3A_4 = vector.load %arg2[%get3A_2, %get3A_3] : memref<512x416xf32, #tpu.memory_space<vmem>>, vector<512x416xf32>
    %get3A_5 = arith.constant 0 : index
    %get3A_6 = arith.constant 0 : index
    %get3A_7 = vector.load %arg7[%get3A_5, %get3A_6] : memref<13x208xf32, #tpu.memory_space<vmem>>, vector<13x208xf32>
    %dot_general3A = arith.constant dense<0.000000e+00> : vector<512x208xf32>
    %dot_general3A_8 = tpu.matmul %get3A_1, %get3A_7, %dot_general3A {dimension_numbers = #tpu.dot_dimension_numbers<[1], [0], [0], [1], [0, 0, 1, 1], [], []>, transpose_lhs_hint = false} : vector<512x13xf32>, vector<13x208xf32>, vector<512x208xf32> -> vector<512x208xf32>
    %get3A_9 = arith.constant 0 : index
    %get3A_10 = arith.constant 0 : index
    %get3A_11 = vector.load %arg8[%get3A_9, %get3A_10] : memref<1x208xf32, #tpu.memory_space<vmem>>, vector<1x208xf32>
    %add3A = vector.broadcast %get3A_11 : vector<1x208xf32> to vector<512x208xf32>
    %add3A_12 = arith.addf %dot_general3A_8, %add3A : vector<512x208xf32>
    %concatenate3A = tpu.concatenate %add3A_12, %get3A_4 in 1 : vector<512x208xf32>, vector<512x416xf32> -> vector<512x624xf32>
    %get3A_13 = arith.constant 0 : index
    %get3A_14 = arith.constant 0 : index
    %get3A_15 = vector.load %arg14[%get3A_13, %get3A_14] : memref<624x16xf32, #tpu.memory_space<vmem>>, vector<624x16xf32>
    %dot_general3A_16 = arith.constant dense<0.000000e+00> : vector<512x16xf32>
    %dot_general3A_17 = tpu.matmul %concatenate3A, %get3A_15, %dot_general3A_16 {dimension_numbers = #tpu.dot_dimension_numbers<[1], [0], [0], [1], [0, 0, 1, 1], [], []>, transpose_lhs_hint = false} : vector<512x624xf32>, vector<624x16xf32>, vector<512x16xf32> -> vector<512x16xf32>
    %mul3A = arith.mulf %concatenate3A, %concatenate3A : vector<512x624xf32>
    %dot_general3A_18 = arith.constant dense<0.000000e+00> : vector<512x16xf32>
    %dot_general3A_19 = tpu.matmul %mul3A, %get3A_15, %dot_general3A_18 {dimension_numbers = #tpu.dot_dimension_numbers<[1], [0], [0], [1], [0, 0, 1, 1], [], []>, transpose_lhs_hint = false} : vector<512x624xf32>, vector<624x16xf32>, vector<512x16xf32> -> vector<512x16xf32>
    %mul3A_20 = arith.mulf %dot_general3A_17, %dot_general3A_17 : vector<512x16xf32>
    %sub3A = arith.subf %mul3A_20, %dot_general3A_19 : vector<512x16xf32>
    %mul3A_21 = arith.constant 5.000000e-01 : f32
    %mul3A_22 = vector.broadcast %mul3A_21 : f32 to vector<512x16xf32>
    %mul3A_23 = arith.mulf %mul3A_22, %sub3A : vector<512x16xf32>
    %get3A_24 = arith.constant 0 : index
    %get3A_25 = arith.constant 0 : index
    %get3A_26 = vector.load %arg11[%get3A_24, %get3A_25] : memref<16x16xf32, #tpu.memory_space<vmem>>, vector<16x16xf32>
    %dot_general3A_27 = arith.constant dense<0.000000e+00> : vector<512x16xf32>
    %dot_general3A_28 = tpu.matmul %mul3A_23, %get3A_26, %dot_general3A_27 {dimension_numbers = #tpu.dot_dimension_numbers<[1], [0], [0], [1], [0, 0, 1, 1], [], []>, transpose_lhs_hint = false} : vector<512x16xf32>, vector<16x16xf32>, vector<512x16xf32> -> vector<512x16xf32>
    %get3A_29 = arith.constant 0 : index
    %get3A_30 = arith.constant 0 : index
    %get3A_31 = vector.load %arg12[%get3A_29, %get3A_30] : memref<1x16xf32, #tpu.memory_space<vmem>>, vector<1x16xf32>
    %add3A_32 = vector.broadcast %get3A_31 : vector<1x16xf32> to vector<512x16xf32>
    %add3A_33 = arith.addf %dot_general3A_28, %add3A_32 : vector<512x16xf32>
    %max3A = arith.constant 0.000000e+00 : f32
    %max3A_34 = vector.broadcast %max3A : f32 to vector<512x16xf32>
    %max3A_35 = arith.maximumf %add3A_33, %max3A_34 : vector<512x16xf32>
    %get3A_36 = arith.constant 0 : index
    %get3A_37 = arith.constant 0 : index
    %get3A_38 = vector.load %arg13[%get3A_36, %get3A_37] : memref<16x11856xf32, #tpu.memory_space<vmem>>, vector<16x11856xf32>
    %dot_general3A_39 = arith.constant dense<0.000000e+00> : vector<512x11856xf32>
    %dot_general3A_40 = tpu.matmul %max3A_35, %get3A_38, %dot_general3A_39 {dimension_numbers = #tpu.dot_dimension_numbers<[1], [0], [0], [1], [0, 0, 1, 1], [], []>, transpose_lhs_hint = false} : vector<512x16xf32>, vector<16x11856xf32>, vector<512x11856xf32> -> vector<512x11856xf32>
    %reduce_max3A = arith.constant dense<0xFF800000> : vector<512xf32>
    %reduce_max3A_41 = vector.multi_reduction <maximumf>, %dot_general3A_40, %reduce_max3A [1] : vector<512x11856xf32> to vector<512xf32>
    %broadcast_in_dim3A = vector.shape_cast %reduce_max3A_41 : vector<512xf32> to vector<512x1xf32>
    %sub3A_42 = vector.broadcast %broadcast_in_dim3A : vector<512x1xf32> to vector<512x11856xf32>
    %sub3A_43 = arith.subf %dot_general3A_40, %sub3A_42 : vector<512x11856xf32>
    %exp3A = math.exp %sub3A_43 : vector<512x11856xf32>
    %reduce_sum3A = arith.constant dense<0.000000e+00> : vector<512xf32>
    %reduce_sum3A_44 = vector.multi_reduction <add>, %exp3A, %reduce_sum3A [1] : vector<512x11856xf32> to vector<512xf32>
    %broadcast_in_dim3A_45 = vector.shape_cast %reduce_sum3A_44 : vector<512xf32> to vector<512x1xf32>
    %div3A = arith.constant 1.600000e+01 : f32
    %div3A_46 = vector.broadcast %div3A : f32 to vector<512x1xf32>
    %div3A_47 = arith.divf %div3A_46, %broadcast_in_dim3A_45 : vector<512x1xf32>
    %mul3A_48 = vector.broadcast %div3A_47 : vector<512x1xf32> to vector<512x11856xf32>
    %mul3A_49 = arith.mulf %exp3A, %mul3A_48 : vector<512x11856xf32>
    %broadcast_in_dim3A_50 = arith.constant 0.000000e+00 : f32
    %broadcast_in_dim3A_51 = vector.broadcast %broadcast_in_dim3A_50 : f32 to vector<512x16xf32>
    %slice3A = vector.extract_strided_slice %mul3A_49 {offsets = [0, 0], sizes = [512, 608], strides = [1, 1]} : vector<512x11856xf32> to vector<512x608xf32>
    %broadcast_in_dim3A_52 = arith.constant 0.000000e+00 : f32
    %broadcast_in_dim3A_53 = vector.broadcast %broadcast_in_dim3A_52 : f32 to vector<512x16xf32>
    %concatenate3A_54 = tpu.concatenate %broadcast_in_dim3A_53, %slice3A in 1 : vector<512x16xf32>, vector<512x608xf32> -> vector<512x624xf32>
    %mul3A_55 = arith.mulf %concatenate3A_54, %concatenate3A : vector<512x624xf32>
    %dot_general3A_56 = arith.constant dense<0.000000e+00> : vector<512x16xf32>
    %dot_general3A_57 = tpu.matmul %mul3A_55, %get3A_15, %dot_general3A_56 {dimension_numbers = #tpu.dot_dimension_numbers<[1], [0], [0], [1], [0, 0, 1, 1], [], []>, transpose_lhs_hint = false} : vector<512x624xf32>, vector<624x16xf32>, vector<512x16xf32> -> vector<512x16xf32>
    %slice3A_58 = vector.extract_strided_slice %concatenate3A {offsets = [0, 0], sizes = [512, 16], strides = [1, 1]} : vector<512x624xf32> to vector<512x16xf32>
    %mul3A_59 = arith.mulf %slice3A_58, %dot_general3A_57 : vector<512x16xf32>
    %add3A_60 = arith.addf %broadcast_in_dim3A_51, %mul3A_59 : vector<512x16xf32>
    %slice3A_61 = vector.extract_strided_slice %mul3A_49 {offsets = [0, 608], sizes = [512, 592], strides = [1, 1]} : vector<512x11856xf32> to vector<512x592xf32>
    %broadcast_in_dim3A_62 = arith.constant 0.000000e+00 : f32
    %broadcast_in_dim3A_63 = vector.broadcast %broadcast_in_dim3A_62 : f32 to vector<512x32xf32>
    %concatenate3A_64 = tpu.concatenate %broadcast_in_dim3A_63, %slice3A_61 in 1 : vector<512x32xf32>, vector<512x592xf32> -> vector<512x624xf32>
    %mul3A_65 = arith.mulf %concatenate3A_64, %concatenate3A : vector<512x624xf32>
    %dot_general3A_66 = arith.constant dense<0.000000e+00> : vector<512x16xf32>
    %dot_general3A_67 = tpu.matmul %mul3A_65, %get3A_15, %dot_general3A_66 {dimension_numbers = #tpu.dot_dimension_numbers<[1], [0], [0], [1], [0, 0, 1, 1], [], []>, transpose_lhs_hint = false} : vector<512x624xf32>, vector<624x16xf32>, vector<512x16xf32> -> vector<512x16xf32>
    %slice3A_68 = vector.extract_strided_slice %concatenate3A {offsets = [0, 16], sizes = [512, 16], strides = [1, 1]} : vector<512x624xf32> to vector<512x16xf32>
    %mul3A_69 = arith.mulf %slice3A_68, %dot_general3A_67 : vector<512x16xf32>
    %add3A_70 = arith.addf %add3A_60, %mul3A_69 : vector<512x16xf32>
    %slice3A_71 = vector.extract_strided_slice %mul3A_49 {offsets = [0, 1200], sizes = [512, 576], strides = [1, 1]} : vector<512x11856xf32> to vector<512x576xf32>
    %broadcast_in_dim3A_72 = arith.constant 0.000000e+00 : f32
    %broadcast_in_dim3A_73 = vector.broadcast %broadcast_in_dim3A_72 : f32 to vector<512x48xf32>
    %concatenate3A_74 = tpu.concatenate %broadcast_in_dim3A_73, %slice3A_71 in 1 : vector<512x48xf32>, vector<512x576xf32> -> vector<512x624xf32>
    %mul3A_75 = arith.mulf %concatenate3A_74, %concatenate3A : vector<512x624xf32>
    %dot_general3A_76 = arith.constant dense<0.000000e+00> : vector<512x16xf32>
    %dot_general3A_77 = tpu.matmul %mul3A_75, %get3A_15, %dot_general3A_76 {dimension_numbers = #tpu.dot_dimension_numbers<[1], [0], [0], [1], [0, 0, 1, 1], [], []>, transpose_lhs_hint = false} : vector<512x624xf32>, vector<624x16xf32>, vector<512x16xf32> -> vector<512x16xf32>
    %slice3A_78 = vector.extract_strided_slice %concatenate3A {offsets = [0, 32], sizes = [512, 16], strides = [1, 1]} : vector<512x624xf32> to vector<512x16xf32>
    %mul3A_79 = arith.mulf %slice3A_78, %dot_general3A_77 : vector<512x16xf32>
    %add3A_80 = arith.addf %add3A_70, %mul3A_79 : vector<512x16xf32>
    %slice3A_81 = vector.extract_strided_slice %mul3A_49 {offsets = [0, 1776], sizes = [512, 560], strides = [1, 1]} : vector<512x11856xf32> to vector<512x560xf32>
    %broadcast_in_dim3A_82 = arith.constant 0.000000e+00 : f32
    %broadcast_in_dim3A_83 = vector.broadcast %broadcast_in_dim3A_82 : f32 to vector<512x64xf32>
    %concatenate3A_84 = tpu.concatenate %broadcast_in_dim3A_83, %slice3A_81 in 1 : vector<512x64xf32>, vector<512x560xf32> -> vector<512x624xf32>
    %mul3A_85 = arith.mulf %concatenate3A_84, %concatenate3A : vector<512x624xf32>
    %dot_general3A_86 = arith.constant dense<0.000000e+00> : vector<512x16xf32>
    %dot_general3A_87 = tpu.matmul %mul3A_85, %get3A_15, %dot_general3A_86 {dimension_numbers = #tpu.dot_dimension_numbers<[1], [0], [0], [1], [0, 0, 1, 1], [], []>, transpose_lhs_hint = false} : vector<512x624xf32>, vector<624x16xf32>, vector<512x16xf32> -> vector<512x16xf32>
    %slice3A_88 = vector.extract_strided_slice %concatenate3A {offsets = [0, 48], sizes = [512, 16], strides = [1, 1]} : vector<512x624xf32> to vector<512x16xf32>
    %mul3A_89 = arith.mulf %slice3A_88, %dot_general3A_87 : vector<512x16xf32>
    %add3A_90 = arith.addf %add3A_80, %mul3A_89 : vector<512x16xf32>
    %slice3A_91 = vector.extract_strided_slice %mul3A_49 {offsets = [0, 2336], sizes = [512, 544], strides = [1, 1]} : vector<512x11856xf32> to vector<512x544xf32>
    %broadcast_in_dim3A_92 = arith.constant 0.000000e+00 : f32
    %broadcast_in_dim3A_93 = vector.broadcast %broadcast_in_dim3A_92 : f32 to vector<512x80xf32>
    %concatenate3A_94 = tpu.concatenate %broadcast_in_dim3A_93, %slice3A_91 in 1 : vector<512x80xf32>, vector<512x544xf32> -> vector<512x624xf32>
    %mul3A_95 = arith.mulf %concatenate3A_94, %concatenate3A : vector<512x624xf32>
    %dot_general3A_96 = arith.constant dense<0.000000e+00> : vector<512x16xf32>
    %dot_general3A_97 = tpu.matmul %mul3A_95, %get3A_15, %dot_general3A_96 {dimension_numbers = #tpu.dot_dimension_numbers<[1], [0], [0], [1], [0, 0, 1, 1], [], []>, transpose_lhs_hint = false} : vector<512x624xf32>, vector<624x16xf32>, vector<512x16xf32> -> vector<512x16xf32>
    %slice3A_98 = vector.extract_strided_slice %concatenate3A {offsets = [0, 64], sizes = [512, 16], strides = [1, 1]} : vector<512x624xf32> to vector<512x16xf32>
    %mul3A_99 = arith.mulf %slice3A_98, %dot_general3A_97 : vector<512x16xf32>
    %add3A_100 = arith.addf %add3A_90, %mul3A_99 : vector<512x16xf32>
    %slice3A_101 = vector.extract_strided_slice %mul3A_49 {offsets = [0, 2880], sizes = [512, 528], strides = [1, 1]} : vector<512x11856xf32> to vector<512x528xf32>
    %broadcast_in_dim3A_102 = arith.constant 0.000000e+00 : f32
    %broadcast_in_dim3A_103 = vector.broadcast %broadcast_in_dim3A_102 : f32 to vector<512x96xf32>
    %concatenate3A_104 = tpu.concatenate %broadcast_in_dim3A_103, %slice3A_101 in 1 : vector<512x96xf32>, vector<512x528xf32> -> vector<512x624xf32>
    %mul3A_105 = arith.mulf %concatenate3A_104, %concatenate3A : vector<512x624xf32>
    %dot_general3A_106 = arith.constant dense<0.000000e+00> : vector<512x16xf32>
    %dot_general3A_107 = tpu.matmul %mul3A_105, %get3A_15, %dot_general3A_106 {dimension_numbers = #tpu.dot_dimension_numbers<[1], [0], [0], [1], [0, 0, 1, 1], [], []>, transpose_lhs_hint = false} : vector<512x624xf32>, vector<624x16xf32>, vector<512x16xf32> -> vector<512x16xf32>
    %slice3A_108 = vector.extract_strided_slice %concatenate3A {offsets = [0, 80], sizes = [512, 16], strides = [1, 1]} : vector<512x624xf32> to vector<512x16xf32>
    %mul3A_109 = arith.mulf %slice3A_108, %dot_general3A_107 : vector<512x16xf32>
    %add3A_110 = arith.addf %add3A_100, %mul3A_109 : vector<512x16xf32>
    %slice3A_111 = vector.extract_strided_slice %mul3A_49 {offsets = [0, 3408], sizes = [512, 512], strides = [1, 1]} : vector<512x11856xf32> to vector<512x512xf32>
    %broadcast_in_dim3A_112 = arith.constant 0.000000e+00 : f32
    %broadcast_in_dim3A_113 = vector.broadcast %broadcast_in_dim3A_112 : f32 to vector<512x112xf32>
    %concatenate3A_114 = tpu.concatenate %broadcast_in_dim3A_113, %slice3A_111 in 1 : vector<512x112xf32>, vector<512x512xf32> -> vector<512x624xf32>
    %mul3A_115 = arith.mulf %concatenate3A_114, %concatenate3A : vector<512x624xf32>
    %dot_general3A_116 = arith.constant dense<0.000000e+00> : vector<512x16xf32>
    %dot_general3A_117 = tpu.matmul %mul3A_115, %get3A_15, %dot_general3A_116 {dimension_numbers = #tpu.dot_dimension_numbers<[1], [0], [0], [1], [0, 0, 1, 1], [], []>, transpose_lhs_hint = false} : vector<512x624xf32>, vector<624x16xf32>, vector<512x16xf32> -> vector<512x16xf32>
    %slice3A_118 = vector.extract_strided_slice %concatenate3A {offsets = [0, 96], sizes = [512, 16], strides = [1, 1]} : vector<512x624xf32> to vector<512x16xf32>
    %mul3A_119 = arith.mulf %slice3A_118, %dot_general3A_117 : vector<512x16xf32>
    %add3A_120 = arith.addf %add3A_110, %mul3A_119 : vector<512x16xf32>
    %slice3A_121 = vector.extract_strided_slice %mul3A_49 {offsets = [0, 3920], sizes = [512, 496], strides = [1, 1]} : vector<512x11856xf32> to vector<512x496xf32>
    %broadcast_in_dim3A_122 = arith.constant 0.000000e+00 : f32
    %broadcast_in_dim3A_123 = vector.broadcast %broadcast_in_dim3A_122 : f32 to vector<512x128xf32>
    %concatenate3A_124 = tpu.concatenate %broadcast_in_dim3A_123, %slice3A_121 in 1 : vector<512x128xf32>, vector<512x496xf32> -> vector<512x624xf32>
    %mul3A_125 = arith.mulf %concatenate3A_124, %concatenate3A : vector<512x624xf32>
    %dot_general3A_126 = arith.constant dense<0.000000e+00> : vector<512x16xf32>
    %dot_general3A_127 = tpu.matmul %mul3A_125, %get3A_15, %dot_general3A_126 {dimension_numbers = #tpu.dot_dimension_numbers<[1], [0], [0], [1], [0, 0, 1, 1], [], []>, transpose_lhs_hint = false} : vector<512x624xf32>, vector<624x16xf32>, vector<512x16xf32> -> vector<512x16xf32>
    %slice3A_128 = vector.extract_strided_slice %concatenate3A {offsets = [0, 112], sizes = [512, 16], strides = [1, 1]} : vector<512x624xf32> to vector<512x16xf32>
    %mul3A_129 = arith.mulf %slice3A_128, %dot_general3A_127 : vector<512x16xf32>
    %add3A_130 = arith.addf %add3A_120, %mul3A_129 : vector<512x16xf32>
    %slice3A_131 = vector.extract_strided_slice %mul3A_49 {offsets = [0, 4416], sizes = [512, 480], strides = [1, 1]} : vector<512x11856xf32> to vector<512x480xf32>
    %broadcast_in_dim3A_132 = arith.constant 0.000000e+00 : f32
    %broadcast_in_dim3A_133 = vector.broadcast %broadcast_in_dim3A_132 : f32 to vector<512x144xf32>
    %concatenate3A_134 = tpu.concatenate %broadcast_in_dim3A_133, %slice3A_131 in 1 : vector<512x144xf32>, vector<512x480xf32> -> vector<512x624xf32>
    %mul3A_135 = arith.mulf %concatenate3A_134, %concatenate3A : vector<512x624xf32>
    %dot_general3A_136 = arith.constant dense<0.000000e+00> : vector<512x16xf32>
    %dot_general3A_137 = tpu.matmul %mul3A_135, %get3A_15, %dot_general3A_136 {dimension_numbers = #tpu.dot_dimension_numbers<[1], [0], [0], [1], [0, 0, 1, 1], [], []>, transpose_lhs_hint = false} : vector<512x624xf32>, vector<624x16xf32>, vector<512x16xf32> -> vector<512x16xf32>
    %slice3A_138 = vector.extract_strided_slice %concatenate3A {offsets = [0, 128], sizes = [512, 16], strides = [1, 1]} : vector<512x624xf32> to vector<512x16xf32>
    %mul3A_139 = arith.mulf %slice3A_138, %dot_general3A_137 : vector<512x16xf32>
    %add3A_140 = arith.addf %add3A_130, %mul3A_139 : vector<512x16xf32>
    %slice3A_141 = vector.extract_strided_slice %mul3A_49 {offsets = [0, 4896], sizes = [512, 464], strides = [1, 1]} : vector<512x11856xf32> to vector<512x464xf32>
    %broadcast_in_dim3A_142 = arith.constant 0.000000e+00 : f32
    %broadcast_in_dim3A_143 = vector.broadcast %broadcast_in_dim3A_142 : f32 to vector<512x160xf32>
    %concatenate3A_144 = tpu.concatenate %broadcast_in_dim3A_143, %slice3A_141 in 1 : vector<512x160xf32>, vector<512x464xf32> -> vector<512x624xf32>
    %mul3A_145 = arith.mulf %concatenate3A_144, %concatenate3A : vector<512x624xf32>
    %dot_general3A_146 = arith.constant dense<0.000000e+00> : vector<512x16xf32>
    %dot_general3A_147 = tpu.matmul %mul3A_145, %get3A_15, %dot_general3A_146 {dimension_numbers = #tpu.dot_dimension_numbers<[1], [0], [0], [1], [0, 0, 1, 1], [], []>, transpose_lhs_hint = false} : vector<512x624xf32>, vector<624x16xf32>, vector<512x16xf32> -> vector<512x16xf32>
    %slice3A_148 = vector.extract_strided_slice %concatenate3A {offsets = [0, 144], sizes = [512, 16], strides = [1, 1]} : vector<512x624xf32> to vector<512x16xf32>
    %mul3A_149 = arith.mulf %slice3A_148, %dot_general3A_147 : vector<512x16xf32>
    %add3A_150 = arith.addf %add3A_140, %mul3A_149 : vector<512x16xf32>
    %slice3A_151 = vector.extract_strided_slice %mul3A_49 {offsets = [0, 5360], sizes = [512, 448], strides = [1, 1]} : vector<512x11856xf32> to vector<512x448xf32>
    %broadcast_in_dim3A_152 = arith.constant 0.000000e+00 : f32
    %broadcast_in_dim3A_153 = vector.broadcast %broadcast_in_dim3A_152 : f32 to vector<512x176xf32>
    %concatenate3A_154 = tpu.concatenate %broadcast_in_dim3A_153, %slice3A_151 in 1 : vector<512x176xf32>, vector<512x448xf32> -> vector<512x624xf32>
    %mul3A_155 = arith.mulf %concatenate3A_154, %concatenate3A : vector<512x624xf32>
    %dot_general3A_156 = arith.constant dense<0.000000e+00> : vector<512x16xf32>
    %dot_general3A_157 = tpu.matmul %mul3A_155, %get3A_15, %dot_general3A_156 {dimension_numbers = #tpu.dot_dimension_numbers<[1], [0], [0], [1], [0, 0, 1, 1], [], []>, transpose_lhs_hint = false} : vector<512x624xf32>, vector<624x16xf32>, vector<512x16xf32> -> vector<512x16xf32>
    %slice3A_158 = vector.extract_strided_slice %concatenate3A {offsets = [0, 160], sizes = [512, 16], strides = [1, 1]} : vector<512x624xf32> to vector<512x16xf32>
    %mul3A_159 = arith.mulf %slice3A_158, %dot_general3A_157 : vector<512x16xf32>
    %add3A_160 = arith.addf %add3A_150, %mul3A_159 : vector<512x16xf32>
    %slice3A_161 = vector.extract_strided_slice %mul3A_49 {offsets = [0, 5808], sizes = [512, 432], strides = [1, 1]} : vector<512x11856xf32> to vector<512x432xf32>
    %broadcast_in_dim3A_162 = arith.constant 0.000000e+00 : f32
    %broadcast_in_dim3A_163 = vector.broadcast %broadcast_in_dim3A_162 : f32 to vector<512x192xf32>
    %concatenate3A_164 = tpu.concatenate %broadcast_in_dim3A_163, %slice3A_161 in 1 : vector<512x192xf32>, vector<512x432xf32> -> vector<512x624xf32>
    %mul3A_165 = arith.mulf %concatenate3A_164, %concatenate3A : vector<512x624xf32>
    %dot_general3A_166 = arith.constant dense<0.000000e+00> : vector<512x16xf32>
    %dot_general3A_167 = tpu.matmul %mul3A_165, %get3A_15, %dot_general3A_166 {dimension_numbers = #tpu.dot_dimension_numbers<[1], [0], [0], [1], [0, 0, 1, 1], [], []>, transpose_lhs_hint = false} : vector<512x624xf32>, vector<624x16xf32>, vector<512x16xf32> -> vector<512x16xf32>
    %slice3A_168 = vector.extract_strided_slice %concatenate3A {offsets = [0, 176], sizes = [512, 16], strides = [1, 1]} : vector<512x624xf32> to vector<512x16xf32>
    %mul3A_169 = arith.mulf %slice3A_168, %dot_general3A_167 : vector<512x16xf32>
    %add3A_170 = arith.addf %add3A_160, %mul3A_169 : vector<512x16xf32>
    %slice3A_171 = vector.extract_strided_slice %mul3A_49 {offsets = [0, 6240], sizes = [512, 416], strides = [1, 1]} : vector<512x11856xf32> to vector<512x416xf32>
    %broadcast_in_dim3A_172 = arith.constant 0.000000e+00 : f32
    %broadcast_in_dim3A_173 = vector.broadcast %broadcast_in_dim3A_172 : f32 to vector<512x208xf32>
    %concatenate3A_174 = tpu.concatenate %broadcast_in_dim3A_173, %slice3A_171 in 1 : vector<512x208xf32>, vector<512x416xf32> -> vector<512x624xf32>
    %mul3A_175 = arith.mulf %concatenate3A_174, %concatenate3A : vector<512x624xf32>
    %dot_general3A_176 = arith.constant dense<0.000000e+00> : vector<512x16xf32>
    %dot_general3A_177 = tpu.matmul %mul3A_175, %get3A_15, %dot_general3A_176 {dimension_numbers = #tpu.dot_dimension_numbers<[1], [0], [0], [1], [0, 0, 1, 1], [], []>, transpose_lhs_hint = false} : vector<512x624xf32>, vector<624x16xf32>, vector<512x16xf32> -> vector<512x16xf32>
    %slice3A_178 = vector.extract_strided_slice %concatenate3A {offsets = [0, 192], sizes = [512, 16], strides = [1, 1]} : vector<512x624xf32> to vector<512x16xf32>
    %mul3A_179 = arith.mulf %slice3A_178, %dot_general3A_177 : vector<512x16xf32>
    %add3A_180 = arith.addf %add3A_170, %mul3A_179 : vector<512x16xf32>
    %slice3A_181 = vector.extract_strided_slice %mul3A_49 {offsets = [0, 6656], sizes = [512, 400], strides = [1, 1]} : vector<512x11856xf32> to vector<512x400xf32>
    %broadcast_in_dim3A_182 = arith.constant 0.000000e+00 : f32
    %broadcast_in_dim3A_183 = vector.broadcast %broadcast_in_dim3A_182 : f32 to vector<512x224xf32>
    %concatenate3A_184 = tpu.concatenate %broadcast_in_dim3A_183, %slice3A_181 in 1 : vector<512x224xf32>, vector<512x400xf32> -> vector<512x624xf32>
    %mul3A_185 = arith.mulf %concatenate3A_184, %concatenate3A : vector<512x624xf32>
    %dot_general3A_186 = arith.constant dense<0.000000e+00> : vector<512x16xf32>
    %dot_general3A_187 = tpu.matmul %mul3A_185, %get3A_15, %dot_general3A_186 {dimension_numbers = #tpu.dot_dimension_numbers<[1], [0], [0], [1], [0, 0, 1, 1], [], []>, transpose_lhs_hint = false} : vector<512x624xf32>, vector<624x16xf32>, vector<512x16xf32> -> vector<512x16xf32>
    %slice3A_188 = vector.extract_strided_slice %concatenate3A {offsets = [0, 208], sizes = [512, 16], strides = [1, 1]} : vector<512x624xf32> to vector<512x16xf32>
    %mul3A_189 = arith.mulf %slice3A_188, %dot_general3A_187 : vector<512x16xf32>
    %add3A_190 = arith.addf %add3A_180, %mul3A_189 : vector<512x16xf32>
    %slice3A_191 = vector.extract_strided_slice %mul3A_49 {offsets = [0, 7056], sizes = [512, 384], strides = [1, 1]} : vector<512x11856xf32> to vector<512x384xf32>
    %broadcast_in_dim3A_192 = arith.constant 0.000000e+00 : f32
    %broadcast_in_dim3A_193 = vector.broadcast %broadcast_in_dim3A_192 : f32 to vector<512x240xf32>
    %concatenate3A_194 = tpu.concatenate %broadcast_in_dim3A_193, %slice3A_191 in 1 : vector<512x240xf32>, vector<512x384xf32> -> vector<512x624xf32>
    %mul3A_195 = arith.mulf %concatenate3A_194, %concatenate3A : vector<512x624xf32>
    %dot_general3A_196 = arith.constant dense<0.000000e+00> : vector<512x16xf32>
    %dot_general3A_197 = tpu.matmul %mul3A_195, %get3A_15, %dot_general3A_196 {dimension_numbers = #tpu.dot_dimension_numbers<[1], [0], [0], [1], [0, 0, 1, 1], [], []>, transpose_lhs_hint = false} : vector<512x624xf32>, vector<624x16xf32>, vector<512x16xf32> -> vector<512x16xf32>
    %slice3A_198 = vector.extract_strided_slice %concatenate3A {offsets = [0, 224], sizes = [512, 16], strides = [1, 1]} : vector<512x624xf32> to vector<512x16xf32>
    %mul3A_199 = arith.mulf %slice3A_198, %dot_general3A_197 : vector<512x16xf32>
    %add3A_200 = arith.addf %add3A_190, %mul3A_199 : vector<512x16xf32>
    %slice3A_201 = vector.extract_strided_slice %mul3A_49 {offsets = [0, 7440], sizes = [512, 368], strides = [1, 1]} : vector<512x11856xf32> to vector<512x368xf32>
    %broadcast_in_dim3A_202 = arith.constant 0.000000e+00 : f32
    %broadcast_in_dim3A_203 = vector.broadcast %broadcast_in_dim3A_202 : f32 to vector<512x256xf32>
    %concatenate3A_204 = tpu.concatenate %broadcast_in_dim3A_203, %slice3A_201 in 1 : vector<512x256xf32>, vector<512x368xf32> -> vector<512x624xf32>
    %mul3A_205 = arith.mulf %concatenate3A_204, %concatenate3A : vector<512x624xf32>
    %dot_general3A_206 = arith.constant dense<0.000000e+00> : vector<512x16xf32>
    %dot_general3A_207 = tpu.matmul %mul3A_205, %get3A_15, %dot_general3A_206 {dimension_numbers = #tpu.dot_dimension_numbers<[1], [0], [0], [1], [0, 0, 1, 1], [], []>, transpose_lhs_hint = false} : vector<512x624xf32>, vector<624x16xf32>, vector<512x16xf32> -> vector<512x16xf32>
    %slice3A_208 = vector.extract_strided_slice %concatenate3A {offsets = [0, 240], sizes = [512, 16], strides = [1, 1]} : vector<512x624xf32> to vector<512x16xf32>
    %mul3A_209 = arith.mulf %slice3A_208, %dot_general3A_207 : vector<512x16xf32>
    %add3A_210 = arith.addf %add3A_200, %mul3A_209 : vector<512x16xf32>
    %slice3A_211 = vector.extract_strided_slice %mul3A_49 {offsets = [0, 7808], sizes = [512, 352], strides = [1, 1]} : vector<512x11856xf32> to vector<512x352xf32>
    %broadcast_in_dim3A_212 = arith.constant 0.000000e+00 : f32
    %broadcast_in_dim3A_213 = vector.broadcast %broadcast_in_dim3A_212 : f32 to vector<512x272xf32>
    %concatenate3A_214 = tpu.concatenate %broadcast_in_dim3A_213, %slice3A_211 in 1 : vector<512x272xf32>, vector<512x352xf32> -> vector<512x624xf32>
    %mul3A_215 = arith.mulf %concatenate3A_214, %concatenate3A : vector<512x624xf32>
    %dot_general3A_216 = arith.constant dense<0.000000e+00> : vector<512x16xf32>
    %dot_general3A_217 = tpu.matmul %mul3A_215, %get3A_15, %dot_general3A_216 {dimension_numbers = #tpu.dot_dimension_numbers<[1], [0], [0], [1], [0, 0, 1, 1], [], []>, transpose_lhs_hint = false} : vector<512x624xf32>, vector<624x16xf32>, vector<512x16xf32> -> vector<512x16xf32>
    %slice3A_218 = vector.extract_strided_slice %concatenate3A {offsets = [0, 256], sizes = [512, 16], strides = [1, 1]} : vector<512x624xf32> to vector<512x16xf32>
    %mul3A_219 = arith.mulf %slice3A_218, %dot_general3A_217 : vector<512x16xf32>
    %add3A_220 = arith.addf %add3A_210, %mul3A_219 : vector<512x16xf32>
    %slice3A_221 = vector.extract_strided_slice %mul3A_49 {offsets = [0, 8160], sizes = [512, 336], strides = [1, 1]} : vector<512x11856xf32> to vector<512x336xf32>
    %broadcast_in_dim3A_222 = arith.constant 0.000000e+00 : f32
    %broadcast_in_dim3A_223 = vector.broadcast %broadcast_in_dim3A_222 : f32 to vector<512x288xf32>
    %concatenate3A_224 = tpu.concatenate %broadcast_in_dim3A_223, %slice3A_221 in 1 : vector<512x288xf32>, vector<512x336xf32> -> vector<512x624xf32>
    %mul3A_225 = arith.mulf %concatenate3A_224, %concatenate3A : vector<512x624xf32>
    %dot_general3A_226 = arith.constant dense<0.000000e+00> : vector<512x16xf32>
    %dot_general3A_227 = tpu.matmul %mul3A_225, %get3A_15, %dot_general3A_226 {dimension_numbers = #tpu.dot_dimension_numbers<[1], [0], [0], [1], [0, 0, 1, 1], [], []>, transpose_lhs_hint = false} : vector<512x624xf32>, vector<624x16xf32>, vector<512x16xf32> -> vector<512x16xf32>
    %slice3A_228 = vector.extract_strided_slice %concatenate3A {offsets = [0, 272], sizes = [512, 16], strides = [1, 1]} : vector<512x624xf32> to vector<512x16xf32>
    %mul3A_229 = arith.mulf %slice3A_228, %dot_general3A_227 : vector<512x16xf32>
    %add3A_230 = arith.addf %add3A_220, %mul3A_229 : vector<512x16xf32>
    %slice3A_231 = vector.extract_strided_slice %mul3A_49 {offsets = [0, 8496], sizes = [512, 320], strides = [1, 1]} : vector<512x11856xf32> to vector<512x320xf32>
    %broadcast_in_dim3A_232 = arith.constant 0.000000e+00 : f32
    %broadcast_in_dim3A_233 = vector.broadcast %broadcast_in_dim3A_232 : f32 to vector<512x304xf32>
    %concatenate3A_234 = tpu.concatenate %broadcast_in_dim3A_233, %slice3A_231 in 1 : vector<512x304xf32>, vector<512x320xf32> -> vector<512x624xf32>
    %mul3A_235 = arith.mulf %concatenate3A_234, %concatenate3A : vector<512x624xf32>
    %dot_general3A_236 = arith.constant dense<0.000000e+00> : vector<512x16xf32>
    %dot_general3A_237 = tpu.matmul %mul3A_235, %get3A_15, %dot_general3A_236 {dimension_numbers = #tpu.dot_dimension_numbers<[1], [0], [0], [1], [0, 0, 1, 1], [], []>, transpose_lhs_hint = false} : vector<512x624xf32>, vector<624x16xf32>, vector<512x16xf32> -> vector<512x16xf32>
    %slice3A_238 = vector.extract_strided_slice %concatenate3A {offsets = [0, 288], sizes = [512, 16], strides = [1, 1]} : vector<512x624xf32> to vector<512x16xf32>
    %mul3A_239 = arith.mulf %slice3A_238, %dot_general3A_237 : vector<512x16xf32>
    %add3A_240 = arith.addf %add3A_230, %mul3A_239 : vector<512x16xf32>
    %slice3A_241 = vector.extract_strided_slice %mul3A_49 {offsets = [0, 8816], sizes = [512, 304], strides = [1, 1]} : vector<512x11856xf32> to vector<512x304xf32>
    %broadcast_in_dim3A_242 = arith.constant 0.000000e+00 : f32
    %broadcast_in_dim3A_243 = vector.broadcast %broadcast_in_dim3A_242 : f32 to vector<512x320xf32>
    %concatenate3A_244 = tpu.concatenate %broadcast_in_dim3A_243, %slice3A_241 in 1 : vector<512x320xf32>, vector<512x304xf32> -> vector<512x624xf32>
    %mul3A_245 = arith.mulf %concatenate3A_244, %concatenate3A : vector<512x624xf32>
    %dot_general3A_246 = arith.constant dense<0.000000e+00> : vector<512x16xf32>
    %dot_general3A_247 = tpu.matmul %mul3A_245, %get3A_15, %dot_general3A_246 {dimension_numbers = #tpu.dot_dimension_numbers<[1], [0], [0], [1], [0, 0, 1, 1], [], []>, transpose_lhs_hint = false} : vector<512x624xf32>, vector<624x16xf32>, vector<512x16xf32> -> vector<512x16xf32>
    %slice3A_248 = vector.extract_strided_slice %concatenate3A {offsets = [0, 304], sizes = [512, 16], strides = [1, 1]} : vector<512x624xf32> to vector<512x16xf32>
    %mul3A_249 = arith.mulf %slice3A_248, %dot_general3A_247 : vector<512x16xf32>
    %add3A_250 = arith.addf %add3A_240, %mul3A_249 : vector<512x16xf32>
    %slice3A_251 = vector.extract_strided_slice %mul3A_49 {offsets = [0, 9120], sizes = [512, 288], strides = [1, 1]} : vector<512x11856xf32> to vector<512x288xf32>
    %broadcast_in_dim3A_252 = arith.constant 0.000000e+00 : f32
    %broadcast_in_dim3A_253 = vector.broadcast %broadcast_in_dim3A_252 : f32 to vector<512x336xf32>
    %concatenate3A_254 = tpu.concatenate %broadcast_in_dim3A_253, %slice3A_251 in 1 : vector<512x336xf32>, vector<512x288xf32> -> vector<512x624xf32>
    %mul3A_255 = arith.mulf %concatenate3A_254, %concatenate3A : vector<512x624xf32>
    %dot_general3A_256 = arith.constant dense<0.000000e+00> : vector<512x16xf32>
    %dot_general3A_257 = tpu.matmul %mul3A_255, %get3A_15, %dot_general3A_256 {dimension_numbers = #tpu.dot_dimension_numbers<[1], [0], [0], [1], [0, 0, 1, 1], [], []>, transpose_lhs_hint = false} : vector<512x624xf32>, vector<624x16xf32>, vector<512x16xf32> -> vector<512x16xf32>
    %slice3A_258 = vector.extract_strided_slice %concatenate3A {offsets = [0, 320], sizes = [512, 16], strides = [1, 1]} : vector<512x624xf32> to vector<512x16xf32>
    %mul3A_259 = arith.mulf %slice3A_258, %dot_general3A_257 : vector<512x16xf32>
    %add3A_260 = arith.addf %add3A_250, %mul3A_259 : vector<512x16xf32>
    %slice3A_261 = vector.extract_strided_slice %mul3A_49 {offsets = [0, 9408], sizes = [512, 272], strides = [1, 1]} : vector<512x11856xf32> to vector<512x272xf32>
    %broadcast_in_dim3A_262 = arith.constant 0.000000e+00 : f32
    %broadcast_in_dim3A_263 = vector.broadcast %broadcast_in_dim3A_262 : f32 to vector<512x352xf32>
    %concatenate3A_264 = tpu.concatenate %broadcast_in_dim3A_263, %slice3A_261 in 1 : vector<512x352xf32>, vector<512x272xf32> -> vector<512x624xf32>
    %mul3A_265 = arith.mulf %concatenate3A_264, %concatenate3A : vector<512x624xf32>
    %dot_general3A_266 = arith.constant dense<0.000000e+00> : vector<512x16xf32>
    %dot_general3A_267 = tpu.matmul %mul3A_265, %get3A_15, %dot_general3A_266 {dimension_numbers = #tpu.dot_dimension_numbers<[1], [0], [0], [1], [0, 0, 1, 1], [], []>, transpose_lhs_hint = false} : vector<512x624xf32>, vector<624x16xf32>, vector<512x16xf32> -> vector<512x16xf32>
    %slice3A_268 = vector.extract_strided_slice %concatenate3A {offsets = [0, 336], sizes = [512, 16], strides = [1, 1]} : vector<512x624xf32> to vector<512x16xf32>
    %mul3A_269 = arith.mulf %slice3A_268, %dot_general3A_267 : vector<512x16xf32>
    %add3A_270 = arith.addf %add3A_260, %mul3A_269 : vector<512x16xf32>
    %slice3A_271 = vector.extract_strided_slice %mul3A_49 {offsets = [0, 9680], sizes = [512, 256], strides = [1, 1]} : vector<512x11856xf32> to vector<512x256xf32>
    %broadcast_in_dim3A_272 = arith.constant 0.000000e+00 : f32
    %broadcast_in_dim3A_273 = vector.broadcast %broadcast_in_dim3A_272 : f32 to vector<512x368xf32>
    %concatenate3A_274 = tpu.concatenate %broadcast_in_dim3A_273, %slice3A_271 in 1 : vector<512x368xf32>, vector<512x256xf32> -> vector<512x624xf32>
    %mul3A_275 = arith.mulf %concatenate3A_274, %concatenate3A : vector<512x624xf32>
    %dot_general3A_276 = arith.constant dense<0.000000e+00> : vector<512x16xf32>
    %dot_general3A_277 = tpu.matmul %mul3A_275, %get3A_15, %dot_general3A_276 {dimension_numbers = #tpu.dot_dimension_numbers<[1], [0], [0], [1], [0, 0, 1, 1], [], []>, transpose_lhs_hint = false} : vector<512x624xf32>, vector<624x16xf32>, vector<512x16xf32> -> vector<512x16xf32>
    %slice3A_278 = vector.extract_strided_slice %concatenate3A {offsets = [0, 352], sizes = [512, 16], strides = [1, 1]} : vector<512x624xf32> to vector<512x16xf32>
    %mul3A_279 = arith.mulf %slice3A_278, %dot_general3A_277 : vector<512x16xf32>
    %add3A_280 = arith.addf %add3A_270, %mul3A_279 : vector<512x16xf32>
    %slice3A_281 = vector.extract_strided_slice %mul3A_49 {offsets = [0, 9936], sizes = [512, 240], strides = [1, 1]} : vector<512x11856xf32> to vector<512x240xf32>
    %broadcast_in_dim3A_282 = arith.constant 0.000000e+00 : f32
    %broadcast_in_dim3A_283 = vector.broadcast %broadcast_in_dim3A_282 : f32 to vector<512x384xf32>
    %concatenate3A_284 = tpu.concatenate %broadcast_in_dim3A_283, %slice3A_281 in 1 : vector<512x384xf32>, vector<512x240xf32> -> vector<512x624xf32>
    %mul3A_285 = arith.mulf %concatenate3A_284, %concatenate3A : vector<512x624xf32>
    %dot_general3A_286 = arith.constant dense<0.000000e+00> : vector<512x16xf32>
    %dot_general3A_287 = tpu.matmul %mul3A_285, %get3A_15, %dot_general3A_286 {dimension_numbers = #tpu.dot_dimension_numbers<[1], [0], [0], [1], [0, 0, 1, 1], [], []>, transpose_lhs_hint = false} : vector<512x624xf32>, vector<624x16xf32>, vector<512x16xf32> -> vector<512x16xf32>
    %slice3A_288 = vector.extract_strided_slice %concatenate3A {offsets = [0, 368], sizes = [512, 16], strides = [1, 1]} : vector<512x624xf32> to vector<512x16xf32>
    %mul3A_289 = arith.mulf %slice3A_288, %dot_general3A_287 : vector<512x16xf32>
    %add3A_290 = arith.addf %add3A_280, %mul3A_289 : vector<512x16xf32>
    %slice3A_291 = vector.extract_strided_slice %mul3A_49 {offsets = [0, 10176], sizes = [512, 224], strides = [1, 1]} : vector<512x11856xf32> to vector<512x224xf32>
    %broadcast_in_dim3A_292 = arith.constant 0.000000e+00 : f32
    %broadcast_in_dim3A_293 = vector.broadcast %broadcast_in_dim3A_292 : f32 to vector<512x400xf32>
    %concatenate3A_294 = tpu.concatenate %broadcast_in_dim3A_293, %slice3A_291 in 1 : vector<512x400xf32>, vector<512x224xf32> -> vector<512x624xf32>
    %mul3A_295 = arith.mulf %concatenate3A_294, %concatenate3A : vector<512x624xf32>
    %dot_general3A_296 = arith.constant dense<0.000000e+00> : vector<512x16xf32>
    %dot_general3A_297 = tpu.matmul %mul3A_295, %get3A_15, %dot_general3A_296 {dimension_numbers = #tpu.dot_dimension_numbers<[1], [0], [0], [1], [0, 0, 1, 1], [], []>, transpose_lhs_hint = false} : vector<512x624xf32>, vector<624x16xf32>, vector<512x16xf32> -> vector<512x16xf32>
    %slice3A_298 = vector.extract_strided_slice %concatenate3A {offsets = [0, 384], sizes = [512, 16], strides = [1, 1]} : vector<512x624xf32> to vector<512x16xf32>
    %mul3A_299 = arith.mulf %slice3A_298, %dot_general3A_297 : vector<512x16xf32>
    %add3A_300 = arith.addf %add3A_290, %mul3A_299 : vector<512x16xf32>
    %slice3A_301 = vector.extract_strided_slice %mul3A_49 {offsets = [0, 10400], sizes = [512, 208], strides = [1, 1]} : vector<512x11856xf32> to vector<512x208xf32>
    %broadcast_in_dim3A_302 = arith.constant 0.000000e+00 : f32
    %broadcast_in_dim3A_303 = vector.broadcast %broadcast_in_dim3A_302 : f32 to vector<512x416xf32>
    %concatenate3A_304 = tpu.concatenate %broadcast_in_dim3A_303, %slice3A_301 in 1 : vector<512x416xf32>, vector<512x208xf32> -> vector<512x624xf32>
    %mul3A_305 = arith.mulf %concatenate3A_304, %concatenate3A : vector<512x624xf32>
    %dot_general3A_306 = arith.constant dense<0.000000e+00> : vector<512x16xf32>
    %dot_general3A_307 = tpu.matmul %mul3A_305, %get3A_15, %dot_general3A_306 {dimension_numbers = #tpu.dot_dimension_numbers<[1], [0], [0], [1], [0, 0, 1, 1], [], []>, transpose_lhs_hint = false} : vector<512x624xf32>, vector<624x16xf32>, vector<512x16xf32> -> vector<512x16xf32>
    %slice3A_308 = vector.extract_strided_slice %concatenate3A {offsets = [0, 400], sizes = [512, 16], strides = [1, 1]} : vector<512x624xf32> to vector<512x16xf32>
    %mul3A_309 = arith.mulf %slice3A_308, %dot_general3A_307 : vector<512x16xf32>
    %add3A_310 = arith.addf %add3A_300, %mul3A_309 : vector<512x16xf32>
    %slice3A_311 = vector.extract_strided_slice %mul3A_49 {offsets = [0, 10608], sizes = [512, 192], strides = [1, 1]} : vector<512x11856xf32> to vector<512x192xf32>
    %broadcast_in_dim3A_312 = arith.constant 0.000000e+00 : f32
    %broadcast_in_dim3A_313 = vector.broadcast %broadcast_in_dim3A_312 : f32 to vector<512x432xf32>
    %concatenate3A_314 = tpu.concatenate %broadcast_in_dim3A_313, %slice3A_311 in 1 : vector<512x432xf32>, vector<512x192xf32> -> vector<512x624xf32>
    %mul3A_315 = arith.mulf %concatenate3A_314, %concatenate3A : vector<512x624xf32>
    %dot_general3A_316 = arith.constant dense<0.000000e+00> : vector<512x16xf32>
    %dot_general3A_317 = tpu.matmul %mul3A_315, %get3A_15, %dot_general3A_316 {dimension_numbers = #tpu.dot_dimension_numbers<[1], [0], [0], [1], [0, 0, 1, 1], [], []>, transpose_lhs_hint = false} : vector<512x624xf32>, vector<624x16xf32>, vector<512x16xf32> -> vector<512x16xf32>
    %slice3A_318 = vector.extract_strided_slice %concatenate3A {offsets = [0, 416], sizes = [512, 16], strides = [1, 1]} : vector<512x624xf32> to vector<512x16xf32>
    %mul3A_319 = arith.mulf %slice3A_318, %dot_general3A_317 : vector<512x16xf32>
    %add3A_320 = arith.addf %add3A_310, %mul3A_319 : vector<512x16xf32>
    %slice3A_321 = vector.extract_strided_slice %mul3A_49 {offsets = [0, 10800], sizes = [512, 176], strides = [1, 1]} : vector<512x11856xf32> to vector<512x176xf32>
    %broadcast_in_dim3A_322 = arith.constant 0.000000e+00 : f32
    %broadcast_in_dim3A_323 = vector.broadcast %broadcast_in_dim3A_322 : f32 to vector<512x448xf32>
    %concatenate3A_324 = tpu.concatenate %broadcast_in_dim3A_323, %slice3A_321 in 1 : vector<512x448xf32>, vector<512x176xf32> -> vector<512x624xf32>
    %mul3A_325 = arith.mulf %concatenate3A_324, %concatenate3A : vector<512x624xf32>
    %dot_general3A_326 = arith.constant dense<0.000000e+00> : vector<512x16xf32>
    %dot_general3A_327 = tpu.matmul %mul3A_325, %get3A_15, %dot_general3A_326 {dimension_numbers = #tpu.dot_dimension_numbers<[1], [0], [0], [1], [0, 0, 1, 1], [], []>, transpose_lhs_hint = false} : vector<512x624xf32>, vector<624x16xf32>, vector<512x16xf32> -> vector<512x16xf32>
    %slice3A_328 = vector.extract_strided_slice %concatenate3A {offsets = [0, 432], sizes = [512, 16], strides = [1, 1]} : vector<512x624xf32> to vector<512x16xf32>
    %mul3A_329 = arith.mulf %slice3A_328, %dot_general3A_327 : vector<512x16xf32>
    %add3A_330 = arith.addf %add3A_320, %mul3A_329 : vector<512x16xf32>
    %slice3A_331 = vector.extract_strided_slice %mul3A_49 {offsets = [0, 10976], sizes = [512, 160], strides = [1, 1]} : vector<512x11856xf32> to vector<512x160xf32>
    %broadcast_in_dim3A_332 = arith.constant 0.000000e+00 : f32
    %broadcast_in_dim3A_333 = vector.broadcast %broadcast_in_dim3A_332 : f32 to vector<512x464xf32>
    %concatenate3A_334 = tpu.concatenate %broadcast_in_dim3A_333, %slice3A_331 in 1 : vector<512x464xf32>, vector<512x160xf32> -> vector<512x624xf32>
    %mul3A_335 = arith.mulf %concatenate3A_334, %concatenate3A : vector<512x624xf32>
    %dot_general3A_336 = arith.constant dense<0.000000e+00> : vector<512x16xf32>
    %dot_general3A_337 = tpu.matmul %mul3A_335, %get3A_15, %dot_general3A_336 {dimension_numbers = #tpu.dot_dimension_numbers<[1], [0], [0], [1], [0, 0, 1, 1], [], []>, transpose_lhs_hint = false} : vector<512x624xf32>, vector<624x16xf32>, vector<512x16xf32> -> vector<512x16xf32>
    %slice3A_338 = vector.extract_strided_slice %concatenate3A {offsets = [0, 448], sizes = [512, 16], strides = [1, 1]} : vector<512x624xf32> to vector<512x16xf32>
    %mul3A_339 = arith.mulf %slice3A_338, %dot_general3A_337 : vector<512x16xf32>
    %add3A_340 = arith.addf %add3A_330, %mul3A_339 : vector<512x16xf32>
    %slice3A_341 = vector.extract_strided_slice %mul3A_49 {offsets = [0, 11136], sizes = [512, 144], strides = [1, 1]} : vector<512x11856xf32> to vector<512x144xf32>
    %broadcast_in_dim3A_342 = arith.constant 0.000000e+00 : f32
    %broadcast_in_dim3A_343 = vector.broadcast %broadcast_in_dim3A_342 : f32 to vector<512x480xf32>
    %concatenate3A_344 = tpu.concatenate %broadcast_in_dim3A_343, %slice3A_341 in 1 : vector<512x480xf32>, vector<512x144xf32> -> vector<512x624xf32>
    %mul3A_345 = arith.mulf %concatenate3A_344, %concatenate3A : vector<512x624xf32>
    %dot_general3A_346 = arith.constant dense<0.000000e+00> : vector<512x16xf32>
    %dot_general3A_347 = tpu.matmul %mul3A_345, %get3A_15, %dot_general3A_346 {dimension_numbers = #tpu.dot_dimension_numbers<[1], [0], [0], [1], [0, 0, 1, 1], [], []>, transpose_lhs_hint = false} : vector<512x624xf32>, vector<624x16xf32>, vector<512x16xf32> -> vector<512x16xf32>
    %slice3A_348 = vector.extract_strided_slice %concatenate3A {offsets = [0, 464], sizes = [512, 16], strides = [1, 1]} : vector<512x624xf32> to vector<512x16xf32>
    %mul3A_349 = arith.mulf %slice3A_348, %dot_general3A_347 : vector<512x16xf32>
    %add3A_350 = arith.addf %add3A_340, %mul3A_349 : vector<512x16xf32>
    %slice3A_351 = vector.extract_strided_slice %mul3A_49 {offsets = [0, 11280], sizes = [512, 128], strides = [1, 1]} : vector<512x11856xf32> to vector<512x128xf32>
    %broadcast_in_dim3A_352 = arith.constant 0.000000e+00 : f32
    %broadcast_in_dim3A_353 = vector.broadcast %broadcast_in_dim3A_352 : f32 to vector<512x496xf32>
    %concatenate3A_354 = tpu.concatenate %broadcast_in_dim3A_353, %slice3A_351 in 1 : vector<512x496xf32>, vector<512x128xf32> -> vector<512x624xf32>
    %mul3A_355 = arith.mulf %concatenate3A_354, %concatenate3A : vector<512x624xf32>
    %dot_general3A_356 = arith.constant dense<0.000000e+00> : vector<512x16xf32>
    %dot_general3A_357 = tpu.matmul %mul3A_355, %get3A_15, %dot_general3A_356 {dimension_numbers = #tpu.dot_dimension_numbers<[1], [0], [0], [1], [0, 0, 1, 1], [], []>, transpose_lhs_hint = false} : vector<512x624xf32>, vector<624x16xf32>, vector<512x16xf32> -> vector<512x16xf32>
    %slice3A_358 = vector.extract_strided_slice %concatenate3A {offsets = [0, 480], sizes = [512, 16], strides = [1, 1]} : vector<512x624xf32> to vector<512x16xf32>
    %mul3A_359 = arith.mulf %slice3A_358, %dot_general3A_357 : vector<512x16xf32>
    %add3A_360 = arith.addf %add3A_350, %mul3A_359 : vector<512x16xf32>
    %slice3A_361 = vector.extract_strided_slice %mul3A_49 {offsets = [0, 11408], sizes = [512, 112], strides = [1, 1]} : vector<512x11856xf32> to vector<512x112xf32>
    %broadcast_in_dim3A_362 = arith.constant 0.000000e+00 : f32
    %broadcast_in_dim3A_363 = vector.broadcast %broadcast_in_dim3A_362 : f32 to vector<512x512xf32>
    %concatenate3A_364 = tpu.concatenate %broadcast_in_dim3A_363, %slice3A_361 in 1 : vector<512x512xf32>, vector<512x112xf32> -> vector<512x624xf32>
    %mul3A_365 = arith.mulf %concatenate3A_364, %concatenate3A : vector<512x624xf32>
    %dot_general3A_366 = arith.constant dense<0.000000e+00> : vector<512x16xf32>
    %dot_general3A_367 = tpu.matmul %mul3A_365, %get3A_15, %dot_general3A_366 {dimension_numbers = #tpu.dot_dimension_numbers<[1], [0], [0], [1], [0, 0, 1, 1], [], []>, transpose_lhs_hint = false} : vector<512x624xf32>, vector<624x16xf32>, vector<512x16xf32> -> vector<512x16xf32>
    %slice3A_368 = vector.extract_strided_slice %concatenate3A {offsets = [0, 496], sizes = [512, 16], strides = [1, 1]} : vector<512x624xf32> to vector<512x16xf32>
    %mul3A_369 = arith.mulf %slice3A_368, %dot_general3A_367 : vector<512x16xf32>
    %add3A_370 = arith.addf %add3A_360, %mul3A_369 : vector<512x16xf32>
    %slice3A_371 = vector.extract_strided_slice %mul3A_49 {offsets = [0, 11520], sizes = [512, 96], strides = [1, 1]} : vector<512x11856xf32> to vector<512x96xf32>
    %broadcast_in_dim3A_372 = arith.constant 0.000000e+00 : f32
    %broadcast_in_dim3A_373 = vector.broadcast %broadcast_in_dim3A_372 : f32 to vector<512x528xf32>
    %concatenate3A_374 = tpu.concatenate %broadcast_in_dim3A_373, %slice3A_371 in 1 : vector<512x528xf32>, vector<512x96xf32> -> vector<512x624xf32>
    %mul3A_375 = arith.mulf %concatenate3A_374, %concatenate3A : vector<512x624xf32>
    %dot_general3A_376 = arith.constant dense<0.000000e+00> : vector<512x16xf32>
    %dot_general3A_377 = tpu.matmul %mul3A_375, %get3A_15, %dot_general3A_376 {dimension_numbers = #tpu.dot_dimension_numbers<[1], [0], [0], [1], [0, 0, 1, 1], [], []>, transpose_lhs_hint = false} : vector<512x624xf32>, vector<624x16xf32>, vector<512x16xf32> -> vector<512x16xf32>
    %slice3A_378 = vector.extract_strided_slice %concatenate3A {offsets = [0, 512], sizes = [512, 16], strides = [1, 1]} : vector<512x624xf32> to vector<512x16xf32>
    %mul3A_379 = arith.mulf %slice3A_378, %dot_general3A_377 : vector<512x16xf32>
    %add3A_380 = arith.addf %add3A_370, %mul3A_379 : vector<512x16xf32>
    %slice3A_381 = vector.extract_strided_slice %mul3A_49 {offsets = [0, 11616], sizes = [512, 80], strides = [1, 1]} : vector<512x11856xf32> to vector<512x80xf32>
    %broadcast_in_dim3A_382 = arith.constant 0.000000e+00 : f32
    %broadcast_in_dim3A_383 = vector.broadcast %broadcast_in_dim3A_382 : f32 to vector<512x544xf32>
    %concatenate3A_384 = tpu.concatenate %broadcast_in_dim3A_383, %slice3A_381 in 1 : vector<512x544xf32>, vector<512x80xf32> -> vector<512x624xf32>
    %mul3A_385 = arith.mulf %concatenate3A_384, %concatenate3A : vector<512x624xf32>
    %dot_general3A_386 = arith.constant dense<0.000000e+00> : vector<512x16xf32>
    %dot_general3A_387 = tpu.matmul %mul3A_385, %get3A_15, %dot_general3A_386 {dimension_numbers = #tpu.dot_dimension_numbers<[1], [0], [0], [1], [0, 0, 1, 1], [], []>, transpose_lhs_hint = false} : vector<512x624xf32>, vector<624x16xf32>, vector<512x16xf32> -> vector<512x16xf32>
    %slice3A_388 = vector.extract_strided_slice %concatenate3A {offsets = [0, 528], sizes = [512, 16], strides = [1, 1]} : vector<512x624xf32> to vector<512x16xf32>
    %mul3A_389 = arith.mulf %slice3A_388, %dot_general3A_387 : vector<512x16xf32>
    %add3A_390 = arith.addf %add3A_380, %mul3A_389 : vector<512x16xf32>
    %slice3A_391 = vector.extract_strided_slice %mul3A_49 {offsets = [0, 11696], sizes = [512, 64], strides = [1, 1]} : vector<512x11856xf32> to vector<512x64xf32>
    %broadcast_in_dim3A_392 = arith.constant 0.000000e+00 : f32
    %broadcast_in_dim3A_393 = vector.broadcast %broadcast_in_dim3A_392 : f32 to vector<512x560xf32>
    %concatenate3A_394 = tpu.concatenate %broadcast_in_dim3A_393, %slice3A_391 in 1 : vector<512x560xf32>, vector<512x64xf32> -> vector<512x624xf32>
    %mul3A_395 = arith.mulf %concatenate3A_394, %concatenate3A : vector<512x624xf32>
    %dot_general3A_396 = arith.constant dense<0.000000e+00> : vector<512x16xf32>
    %dot_general3A_397 = tpu.matmul %mul3A_395, %get3A_15, %dot_general3A_396 {dimension_numbers = #tpu.dot_dimension_numbers<[1], [0], [0], [1], [0, 0, 1, 1], [], []>, transpose_lhs_hint = false} : vector<512x624xf32>, vector<624x16xf32>, vector<512x16xf32> -> vector<512x16xf32>
    %slice3A_398 = vector.extract_strided_slice %concatenate3A {offsets = [0, 544], sizes = [512, 16], strides = [1, 1]} : vector<512x624xf32> to vector<512x16xf32>
    %mul3A_399 = arith.mulf %slice3A_398, %dot_general3A_397 : vector<512x16xf32>
    %add3A_400 = arith.addf %add3A_390, %mul3A_399 : vector<512x16xf32>
    %slice3A_401 = vector.extract_strided_slice %mul3A_49 {offsets = [0, 11760], sizes = [512, 48], strides = [1, 1]} : vector<512x11856xf32> to vector<512x48xf32>
    %broadcast_in_dim3A_402 = arith.constant 0.000000e+00 : f32
    %broadcast_in_dim3A_403 = vector.broadcast %broadcast_in_dim3A_402 : f32 to vector<512x576xf32>
    %concatenate3A_404 = tpu.concatenate %broadcast_in_dim3A_403, %slice3A_401 in 1 : vector<512x576xf32>, vector<512x48xf32> -> vector<512x624xf32>
    %mul3A_405 = arith.mulf %concatenate3A_404, %concatenate3A : vector<512x624xf32>
    %dot_general3A_406 = arith.constant dense<0.000000e+00> : vector<512x16xf32>
    %dot_general3A_407 = tpu.matmul %mul3A_405, %get3A_15, %dot_general3A_406 {dimension_numbers = #tpu.dot_dimension_numbers<[1], [0], [0], [1], [0, 0, 1, 1], [], []>, transpose_lhs_hint = false} : vector<512x624xf32>, vector<624x16xf32>, vector<512x16xf32> -> vector<512x16xf32>
    %slice3A_408 = vector.extract_strided_slice %concatenate3A {offsets = [0, 560], sizes = [512, 16], strides = [1, 1]} : vector<512x624xf32> to vector<512x16xf32>
    %mul3A_409 = arith.mulf %slice3A_408, %dot_general3A_407 : vector<512x16xf32>
    %add3A_410 = arith.addf %add3A_400, %mul3A_409 : vector<512x16xf32>
    %slice3A_411 = vector.extract_strided_slice %mul3A_49 {offsets = [0, 11808], sizes = [512, 32], strides = [1, 1]} : vector<512x11856xf32> to vector<512x32xf32>
    %broadcast_in_dim3A_412 = arith.constant 0.000000e+00 : f32
    %broadcast_in_dim3A_413 = vector.broadcast %broadcast_in_dim3A_412 : f32 to vector<512x592xf32>
    %concatenate3A_414 = tpu.concatenate %broadcast_in_dim3A_413, %slice3A_411 in 1 : vector<512x592xf32>, vector<512x32xf32> -> vector<512x624xf32>
    %mul3A_415 = arith.mulf %concatenate3A_414, %concatenate3A : vector<512x624xf32>
    %dot_general3A_416 = arith.constant dense<0.000000e+00> : vector<512x16xf32>
    %dot_general3A_417 = tpu.matmul %mul3A_415, %get3A_15, %dot_general3A_416 {dimension_numbers = #tpu.dot_dimension_numbers<[1], [0], [0], [1], [0, 0, 1, 1], [], []>, transpose_lhs_hint = false} : vector<512x624xf32>, vector<624x16xf32>, vector<512x16xf32> -> vector<512x16xf32>
    %slice3A_418 = vector.extract_strided_slice %concatenate3A {offsets = [0, 576], sizes = [512, 16], strides = [1, 1]} : vector<512x624xf32> to vector<512x16xf32>
    %mul3A_419 = arith.mulf %slice3A_418, %dot_general3A_417 : vector<512x16xf32>
    %add3A_420 = arith.addf %add3A_410, %mul3A_419 : vector<512x16xf32>
    %slice3A_421 = vector.extract_strided_slice %mul3A_49 {offsets = [0, 11840], sizes = [512, 16], strides = [1, 1]} : vector<512x11856xf32> to vector<512x16xf32>
    %broadcast_in_dim3A_422 = arith.constant 0.000000e+00 : f32
    %broadcast_in_dim3A_423 = vector.broadcast %broadcast_in_dim3A_422 : f32 to vector<512x608xf32>
    %concatenate3A_424 = tpu.concatenate %broadcast_in_dim3A_423, %slice3A_421 in 1 : vector<512x608xf32>, vector<512x16xf32> -> vector<512x624xf32>
    %mul3A_425 = arith.mulf %concatenate3A_424, %concatenate3A : vector<512x624xf32>
    %dot_general3A_426 = arith.constant dense<0.000000e+00> : vector<512x16xf32>
    %dot_general3A_427 = tpu.matmul %mul3A_425, %get3A_15, %dot_general3A_426 {dimension_numbers = #tpu.dot_dimension_numbers<[1], [0], [0], [1], [0, 0, 1, 1], [], []>, transpose_lhs_hint = false} : vector<512x624xf32>, vector<624x16xf32>, vector<512x16xf32> -> vector<512x16xf32>
    %slice3A_428 = vector.extract_strided_slice %concatenate3A {offsets = [0, 592], sizes = [512, 16], strides = [1, 1]} : vector<512x624xf32> to vector<512x16xf32>
    %mul3A_429 = arith.mulf %slice3A_428, %dot_general3A_427 : vector<512x16xf32>
    %add3A_430 = arith.addf %add3A_420, %mul3A_429 : vector<512x16xf32>
    %get3A_431 = arith.constant 0 : index
    %get3A_432 = arith.constant 0 : index
    %get3A_433 = vector.load %arg15[%get3A_431, %get3A_432] : memref<1x16xf32, #tpu.memory_space<vmem>>, vector<1x16xf32>
    %mul3A_434 = vector.broadcast %get3A_433 : vector<1x16xf32> to vector<512x16xf32>
    %mul3A_435 = arith.mulf %add3A_430, %mul3A_434 : vector<512x16xf32>
    %reduce_sum3A_436 = arith.constant dense<0.000000e+00> : vector<512xf32>
    %reduce_sum3A_437 = vector.multi_reduction <add>, %mul3A_435, %reduce_sum3A_436 [1] : vector<512x16xf32> to vector<512xf32>
    %broadcast_in_dim3A_438 = vector.shape_cast %reduce_sum3A_437 : vector<512xf32> to vector<512x1xf32>
    %get3A_439 = arith.constant 0 : index
    %get3A_440 = arith.constant 0 : index
    %get3A_441 = vector.load %arg16[%get3A_439, %get3A_440] : memref<1x1xf32, #tpu.memory_space<vmem>>, vector<1x1xf32>
    %add3A_442 = vector.broadcast %get3A_441 : vector<1x1xf32> to vector<512x1xf32>
    %add3A_443 = arith.addf %broadcast_in_dim3A_438, %add3A_442 : vector<512x1xf32>
    %get3A_444 = arith.constant 0 : index
    %get3A_445 = arith.constant 0 : index
    %get3A_446 = vector.load %arg4[%get3A_444, %get3A_445] : memref<512x26xf32, #tpu.memory_space<vmem>>, vector<512x26xf32>
    %get3A_447 = arith.constant 0 : index
    %get3A_448 = arith.constant 0 : index
    %get3A_449 = vector.load %arg5[%get3A_447, %get3A_448] : memref<26x416xf32, #tpu.memory_space<vmem>>, vector<26x416xf32>
    %dot_general3A_450 = arith.constant dense<0.000000e+00> : vector<512x416xf32>
    %dot_general3A_451 = tpu.matmul %get3A_446, %get3A_449, %dot_general3A_450 {dimension_numbers = #tpu.dot_dimension_numbers<[1], [0], [0], [1], [0, 0, 1, 1], [], []>, transpose_lhs_hint = false} : vector<512x26xf32>, vector<26x416xf32>, vector<512x416xf32> -> vector<512x416xf32>
    %get3A_452 = arith.constant 0 : index
    %get3A_453 = arith.constant 0 : index
    %get3A_454 = vector.load %arg6[%get3A_452, %get3A_453] : memref<1x416xf32, #tpu.memory_space<vmem>>, vector<1x416xf32>
    %eq3A = vector.broadcast %get3A_454 : vector<1x416xf32> to vector<512x416xf32>
    %eq3A_455 = arith.cmpf oeq, %dot_general3A_451, %eq3A : vector<512x416xf32>
    %jit3A = arith.constant 1.000000e+00 : f32
    %jit3A_456 = arith.constant 0.000000e+00 : f32
    %broadcast_in_dim3A_457 = vector.broadcast %jit3A : f32 to vector<512x416xf32>
    %broadcast_in_dim3A_458 = vector.broadcast %jit3A_456 : f32 to vector<512x416xf32>
    %select_n3A = arith.select %eq3A_455, %broadcast_in_dim3A_457, %broadcast_in_dim3A_458 : vector<512x416xi1>, vector<512x416xf32>
    %get3A_459 = arith.constant 0 : index
    %get3A_460 = arith.constant 0 : index
    %get3A_461 = vector.load %arg3[%get3A_459, %get3A_460] : memref<512x416xf32, #tpu.memory_space<vmem>>, vector<512x416xf32>
    %mul3A_462 = arith.mulf %get3A_461, %select_n3A : vector<512x416xf32>
    %reduce_sum3A_463 = arith.constant dense<0.000000e+00> : vector<512xf32>
    %reduce_sum3A_464 = vector.multi_reduction <add>, %mul3A_462, %reduce_sum3A_463 [1] : vector<512x416xf32> to vector<512xf32>
    %broadcast_in_dim3A_465 = vector.shape_cast %reduce_sum3A_464 : vector<512xf32> to vector<512x1xf32>
    %get3A_466 = arith.constant 0 : index
    %get3A_467 = arith.constant 0 : index
    %get3A_468 = vector.load %arg9[%get3A_466, %get3A_467] : memref<1x13xf32, #tpu.memory_space<vmem>>, vector<1x13xf32>
    %mul3A_469 = vector.broadcast %get3A_468 : vector<1x13xf32> to vector<512x13xf32>
    %mul3A_470 = arith.mulf %get3A_1, %mul3A_469 : vector<512x13xf32>
    %reduce_sum3A_471 = arith.constant dense<0.000000e+00> : vector<512xf32>
    %reduce_sum3A_472 = vector.multi_reduction <add>, %mul3A_470, %reduce_sum3A_471 [1] : vector<512x13xf32> to vector<512xf32>
    %broadcast_in_dim3A_473 = vector.shape_cast %reduce_sum3A_472 : vector<512xf32> to vector<512x1xf32>
    %get3A_474 = arith.constant 0 : index
    %get3A_475 = arith.constant 0 : index
    %get3A_476 = vector.load %arg10[%get3A_474, %get3A_475] : memref<1x1xf32, #tpu.memory_space<vmem>>, vector<1x1xf32>
    %add3A_477 = vector.broadcast %get3A_476 : vector<1x1xf32> to vector<512x1xf32>
    %add3A_478 = arith.addf %broadcast_in_dim3A_473, %add3A_477 : vector<512x1xf32>
    %add3A_479 = arith.addf %add3A_478, %broadcast_in_dim3A_465 : vector<512x1xf32>
    %get3A_480 = arith.constant 0 : index
    %get3A_481 = arith.constant 0 : index
    %get3A_482 = vector.load %arg17[%get3A_480, %get3A_481] : memref<1x2xf32, #tpu.memory_space<vmem>>, vector<1x2xf32>
    %slice3A_483 = vector.extract_strided_slice %get3A_482 {offsets = [0, 0], sizes = [1, 1], strides = [1, 1]} : vector<1x2xf32> to vector<1x1xf32>
    %mul3A_484 = vector.broadcast %slice3A_483 : vector<1x1xf32> to vector<512x1xf32>
    %mul3A_485 = arith.mulf %add3A_479, %mul3A_484 : vector<512x1xf32>
    %slice3A_486 = vector.extract_strided_slice %get3A_482 {offsets = [0, 1], sizes = [1, 1], strides = [1, 1]} : vector<1x2xf32> to vector<1x1xf32>
    %mul3A_487 = vector.broadcast %slice3A_486 : vector<1x1xf32> to vector<512x1xf32>
    %mul3A_488 = arith.mulf %add3A_443, %mul3A_487 : vector<512x1xf32>
    %add3A_489 = arith.addf %mul3A_485, %mul3A_488 : vector<512x1xf32>
    %get3A_490 = arith.constant 0 : index
    %get3A_491 = arith.constant 0 : index
    %get3A_492 = vector.load %arg18[%get3A_490, %get3A_491] : memref<1x1xf32, #tpu.memory_space<vmem>>, vector<1x1xf32>
    %add3A_493 = vector.broadcast %get3A_492 : vector<1x1xf32> to vector<512x1xf32>
    %add3A_494 = arith.addf %add3A_489, %add3A_493 : vector<512x1xf32>
    %swap3A = arith.constant 0 : index
    %swap3A_495 = arith.constant 0 : index
    %swap3A_496 = vector.load %arg19[%swap3A, %swap3A_495] : memref<512x1xf32, #tpu.memory_space<vmem>>, vector<512x1xf32>
    tpu.vector_store %arg19[%swap3A, %swap3A_495], %add3A_494 {strides = array<i32>} : memref<512x1xf32, #tpu.memory_space<vmem>>, vector<512x1xf32>,
    return
  }
  func.func @transform_0(%arg0: i32) -> (i32, i32) {
    %c0_i32 = arith.constant 0 : i32
    %c0_i32_0 = arith.constant 0 : i32
    return %arg0, %c0_i32 : i32, i32
  }
  func.func @transform_1(%arg0: i32) -> (i32, i32) {
    %c0_i32 = arith.constant 0 : i32
    %c0_i32_0 = arith.constant 0 : i32
    return %arg0, %c0_i32 : i32, i32
  }
  func.func @transform_2(%arg0: i32) -> (i32, i32) {
    %c0_i32 = arith.constant 0 : i32
    %c0_i32_0 = arith.constant 0 : i32
    return %arg0, %c0_i32 : i32, i32
  }
  func.func @transform_3(%arg0: i32) -> (i32, i32) {
    %c0_i32 = arith.constant 0 : i32
    %c0_i32_0 = arith.constant 0 : i32
    return %arg0, %c0_i32 : i32, i32
  }
  func.func @transform_4(%arg0: i32) -> (i32, i32) {
    %c0_i32 = arith.constant 0 : i32
    %c0_i32_0 = arith.constant 0 : i32
    %c0_i32_1 = arith.constant 0 : i32
    return %c0_i32, %c0_i32_0 : i32, i32
  }
  func.func @transform_5(%arg0: i32) -> (i32, i32) {
    %c0_i32 = arith.constant 0 : i32
    %c0_i32_0 = arith.constant 0 : i32
    %c0_i32_1 = arith.constant 0 : i32
    return %c0_i32, %c0_i32_0 : i32, i32
  }
  func.func @transform_6(%arg0: i32) -> (i32, i32) {
    %c0_i32 = arith.constant 0 : i32
    %c0_i32_0 = arith.constant 0 : i32
    %c0_i32_1 = arith.constant 0 : i32
    return %c0_i32, %c0_i32_0 : i32, i32
  }
  func.func @transform_7(%arg0: i32) -> (i32, i32) {
    %c0_i32 = arith.constant 0 : i32
    %c0_i32_0 = arith.constant 0 : i32
    %c0_i32_1 = arith.constant 0 : i32
    return %c0_i32, %c0_i32_0 : i32, i32
  }
  func.func @transform_8(%arg0: i32) -> (i32, i32) {
    %c0_i32 = arith.constant 0 : i32
    %c0_i32_0 = arith.constant 0 : i32
    %c0_i32_1 = arith.constant 0 : i32
    return %c0_i32, %c0_i32_0 : i32, i32
  }
  func.func @transform_9(%arg0: i32) -> (i32, i32) {
    %c0_i32 = arith.constant 0 : i32
    %c0_i32_0 = arith.constant 0 : i32
    %c0_i32_1 = arith.constant 0 : i32
    return %c0_i32, %c0_i32_0 : i32, i32
  }
  func.func @transform_10(%arg0: i32) -> (i32, i32) {
    %c0_i32 = arith.constant 0 : i32
    %c0_i32_0 = arith.constant 0 : i32
    %c0_i32_1 = arith.constant 0 : i32
    return %c0_i32, %c0_i32_0 : i32, i32
  }
  func.func @transform_11(%arg0: i32) -> (i32, i32) {
    %c0_i32 = arith.constant 0 : i32
    %c0_i32_0 = arith.constant 0 : i32
    %c0_i32_1 = arith.constant 0 : i32
    return %c0_i32, %c0_i32_0 : i32, i32
  }
  func.func @transform_12(%arg0: i32) -> (i32, i32) {
    %c0_i32 = arith.constant 0 : i32
    %c0_i32_0 = arith.constant 0 : i32
    %c0_i32_1 = arith.constant 0 : i32
    return %c0_i32, %c0_i32_0 : i32, i32
  }
  func.func @transform_13(%arg0: i32) -> (i32, i32) {
    %c0_i32 = arith.constant 0 : i32
    %c0_i32_0 = arith.constant 0 : i32
    %c0_i32_1 = arith.constant 0 : i32
    return %c0_i32, %c0_i32_0 : i32, i32
  }
  func.func @transform_14(%arg0: i32) -> (i32, i32) {
    %c0_i32 = arith.constant 0 : i32
    %c0_i32_0 = arith.constant 0 : i32
    %c0_i32_1 = arith.constant 0 : i32
    return %c0_i32, %c0_i32_0 : i32, i32
  }
  func.func @transform_15(%arg0: i32) -> (i32, i32) {
    %c0_i32 = arith.constant 0 : i32
    %c0_i32_0 = arith.constant 0 : i32
    %c0_i32_1 = arith.constant 0 : i32
    return %c0_i32, %c0_i32_0 : i32, i32
  }
  func.func @transform_16(%arg0: i32) -> (i32, i32) {
    %c0_i32 = arith.constant 0 : i32
    %c0_i32_0 = arith.constant 0 : i32
    %c0_i32_1 = arith.constant 0 : i32
    return %c0_i32, %c0_i32_0 : i32, i32
  }
  func.func @transform_17(%arg0: i32) -> (i32, i32) {
    %c0_i32 = arith.constant 0 : i32
    %c0_i32_0 = arith.constant 0 : i32
    %c0_i32_1 = arith.constant 0 : i32
    return %c0_i32, %c0_i32_0 : i32, i32
  }
  func.func @transform_18(%arg0: i32) -> (i32, i32) {
    %c0_i32 = arith.constant 0 : i32
    %c0_i32_0 = arith.constant 0 : i32
    return %arg0, %c0_i32 : i32, i32
  }
}

</mosaic_0001>

<sc_bundles>
// kernel: kernel.4.cloned.1.call-start
scs
__scs_entry_jumppad:
0x0: {  	(pc) =	sbr.rel $0x88, $3  }
0x1: {  	(tag) =	ssettag $0x0;
	lr =	simm.s32 $0x1  }
0x2: {  	[smem:$0x3F92] =	sst lr;
	_ =	strace $0xD0000000  }
0x3: {  	_ = 	snop  }
0x4: {  	_ = 	snop  }
0x5: {  	_ = 	snop  }
0x6: {  	_ = 	snop  }
0x7: {  	_ = 	snop  }
__scs_overlays_trampoline_lowered:
0x8: {  	[smem:$0x3FA1] =	sst s0  }
0x9: {  	[smem:$0x3FA2] =	sst s1  }
0xa: {  	[smem:$0x3FA3] =	sst s2  }
0xb: {  	[smem:$0x3FA4] =	sst s3  }
0xc: {  	[smem:$0x3FA5] =	sst s4  }
0xd: {  	[smem:$0x3FA6] =	sst s5  }
0xe: {  	[smem:$0x3FA7] =	sst s6  }
0xf: {  	[smem:$0x3FA8] =	sst s7  }
0x10: {  	[smem:$0x3FA9] =	sst s8  }
0x11: {  	[smem:$0x3FAA] =	sst s9;
	s0 =	simm.s32 @!p0 $0x0  }
0x12: {  	s1 =	sld [smem:$0x3F90];
	s0 =	simm.s32 @p0 $0x1  }
0x13: {  	[smem:$0x3FAB] =	sst s0;
	s0 =	simm.s32 @!p1 $0x0  }
0x14: {  	s2 =	sld [smem:$0x3F8F];
	s0 =	simm.s32 @p1 $0x1  }
0x15: {  	[smem:$0x3FAC] =	sst s0;
	s0 =	simm.s32 @!p2 $0x0  }
0x16: {  	s3 =	sld [smem:$0x3FDB];
	s0 =	simm.s32 @p2 $0x1  }
0x17: {  	s4 =	simm.s32 $0x1BF5;
	[smem:$0x3FAE] =	sst s0  }
0x18: {  	s0 =	sld [smem:$0x3F91];
	_ =	swait.ge [sflag:s4], $0x0  }
0x19: {  	s7 =	sld [smem:$0x3F92]  }
0x1a: {  	s8 =	sadd.s32 $0xFFFFE003, lr  }
0x1b: {  	s9 =	sadd.s32 $0xFFFFFEF7, lr;
	s5 =	simm.s32 $0xFFFFFFFF;
	p2 =	slt.u32 s8, $0xFFFFF086  }
0x1c: {  	p1 =	slt.u32 s9, $0xF7A;
	s5 =	simm.s32 @!p2 $0x0  }
0x1d: {  	s5 =	simm.s32 @p1 $0x1;
	p0 =	seq.s32 s7, s2  }
0x1e: {  	s7 =	smul.u32 @!p0 $0xF7A, s2;
	p2 =	seq.s32 @!p0 s5, $0x0  }
0x1f: {  	s9 =	smul.u32 $0xF7A, s1;
	s8 =	simm.s32 @!p0 $0x1BF5;
	p2 =	por !p2, p0  }
0x20: {  	[sflag:s8] =	ssyncset.s32 @!p0 $0xFFFFF086;
	s6 =	sadd.s32 @!p0 s3, s7;
	s7 =	simm.s32 @!p0 $0x108  }
0x21: {  	s3 =	sadd.s32 s3, s9;
	s6 =	sadd.s32 @!p0 $0x88, s6;
	s7 =	simm.s32 @p2 $0x1082  }
0x22: {  	[simem:s7], [sflag:s8] =	dma.local @!p0 [hbm:s6], $0xF7A  }
0x23: {  	s9 =	sor.u32 $0xD0000000, s2;
	s6 =	simm.s32 $0x108;
	_ =	swait.ge @!p0 [sflag:s8], $0x0  }
0x24: {  	s3 =	sadd.s32 $0x88, s3;
	s6 =	simm.s32 @!p1 $0x1082;
	[sflag:s4] =	ssyncset.s32 $0xFFFFF086  }
0x25: {  	[simem:s6], [sflag:s4] =	dma.local [hbm:s3], $0xF7A  }
0x26: {  	[smem:$0x3F92] =	sst s1;
	(tag) =	ssettag s2;
	_ =	strace s9  }
0x27: {  	s1 =	sld [smem:$0x3FA2]  }
0x28: {  	s2 =	sld [smem:$0x3FA3]  }
0x29: {  	s4 =	sld [smem:$0x3FA5]  }
0x2a: {  	p0 =	seq.s32 s5, $0x0;
	s5 =	sld [smem:$0x3FA6]  }
0x2b: {  	s6 =	sld [smem:$0x3FA7]  }
0x2c: {  	s7 =	sld [smem:$0x3FA8]  }
0x2d: {  	s3 =	simm.s32 $0x108;
	s8 =	sld [smem:$0x3FA9]  }
0x2e: {  	s3 =	simm.s32 @!p0 $0x1082;
	s9 =	sld [smem:$0x3FAA]  }
0x2f: {  	lr =	sadd.s32 s0, s3;
	s0 =	sld [smem:$0x3FA1]  }
0x30: {  	s3 =	sld [smem:$0x3FA4]  }
0x31: {  	[smem:$0x3FAD] =	sst s10  }
0x32: {  	s10 =	sld [smem:$0x3FAB];
	_ =	sdelay $0x3  }
0x33: {  	p0 =	seq.s32 s10, $0x1;
	s10 =	sld [smem:$0x3FAD];
	_ =	sdelay $0x3  }
0x34: {  	[smem:$0x3FAD] =	sst s10  }
0x35: {  	s10 =	sld [smem:$0x3FAC];
	_ =	sdelay $0x3  }
0x36: {  	p1 =	seq.s32 s10, $0x1;
	s10 =	sld [smem:$0x3FAD];
	_ =	sdelay $0x3  }
0x37: {  	[smem:$0x3FAD] =	sst s10  }
0x38: {  	s10 =	sld [smem:$0x3FAE]  }
0x39: {  	_ = 	snop;
	(pc) =	sbr.ind lr, $3  }
0x3a: {  	_ = 	snop  }
0x3b: {  	_ = 	snop  }
0x3c: {  	p2 =	seq.s32 s10, $0x1;
	s10 =	sld [smem:$0x3FAD]  }
0x3d: {  	_ =	shalt  }
0x3e: {  	_ =	shalt  }
0x3f: {  	_ =	shalt  }
0x40: {  	_ =	shalt  }
0x41: {  	_ =	shalt  }
0x42: {  	_ =	shalt  }
0x43: {  	_ =	shalt  }
0x44: {  	_ =	shalt  }
0x45: {  	_ =	shalt  }
0x46: {  	_ =	shalt  }
0x47: {  	_ =	shalt  }
0x48: {  	_ =	shalt  }
0x49: {  	_ =	shalt  }
0x4a: {  	_ =	shalt  }
0x4b: {  	_ =	shalt  }
0x4c: {  	_ =	shalt  }
0x4d: {  	_ =	shalt  }
0x4e: {  	_ =	shalt  }
0x4f: {  	_ =	shalt  }
0x50: {  	_ =	shalt  }
0x51: {  	_ =	shalt  }
0x52: {  	_ =	shalt  }
0x53: {  	_ =	shalt  }
0x54: {  	_ =	shalt  }
0x55: {  	_ =	shalt  }
0x56: {  	_ =	shalt  }
0x57: {  	_ =	shalt  }
0x58: {  	_ =	shalt  }
0x59: {  	_ =	shalt  }
0x5a: {  	_ =	shalt  }
0x5b: {  	_ =	shalt  }
0x5c: {  	_ =	shalt  }
0x5d: {  	_ =	shalt  }
0x5e: {  	_ =	shalt  }
0x5f: {  	_ =	shalt  }
0x60: {  	_ =	shalt  }
0x61: {  	_ =	shalt  }
0x62: {  	_ =	shalt  }
0x63: {  	_ =	shalt  }
0x64: {  	_ =	shalt  }
0x65: {  	_ =	shalt  }
0x66: {  	_ =	shalt  }
0x67: {  	_ =	shalt  }
0x68: {  	_ =	shalt  }
0x69: {  	_ =	shalt  }
0x6a: {  	_ =	shalt  }
0x6b: {  	_ =	shalt  }
0x6c: {  	_ =	shalt  }
0x6d: {  	_ =	shalt  }
0x6e: {  	_ =	shalt  }
0x6f: {  	_ =	shalt  }
0x70: {  	_ =	shalt  }
0x71: {  	_ =	shalt  }
0x72: {  	_ =	shalt  }
0x73: {  	_ =	shalt  }
0x74: {  	_ =	shalt  }
0x75: {  	_ =	shalt  }
0x76: {  	_ =	shalt  }
0x77: {  	_ =	shalt  }
0x78: {  	_ =	shalt  }
0x79: {  	_ =	shalt  }
0x7a: {  	_ =	shalt  }
0x7b: {  	_ =	shalt  }
0x7c: {  	_ =	shalt  }
0x7d: {  	_ =	shalt  }
0x7e: {  	_ =	shalt  }
0x7f: {  	_ =	shalt  }
0x80: {  	_ =	shalt  }
0x81: {  	_ =	shalt  }
0x82: {  	_ =	shalt  }
0x83: {  	_ =	shalt  }
0x84: {  	_ =	shalt  }
0x85: {  	_ =	shalt  }
0x86: {  	_ =	shalt  }
0x87: {  	_ =	shalt  }
.Lfunc_end0:
.L_simem_size_0:
called_computation_lowered:
.L_overlay_start_0:
0x88: {  	s2 =	sld [smem:$0x3FD9]  }
0x89: {  	s3 =	sld [smem:$0x3FFE];
	_ =	sdelay $0x1  }
0x8a: {  	s1 =	srdreg.scid  }
0x8b: {  	s0 =	sand.u32 $0x1, s1  }
0x8c: {  	s16 =	sshll.u32 s0, $0xA;
	s2 =	sadd.s32 s3, s2  }
0x8d: {  	s2 =	sadd.s32 s2, s16  }
0x8e: {  	[smem:$0x3FB9] =	sst s2  }
0x8f: {  	_ = 	snop  }
0x90: {  	(tm) =	ssettm $0x1  }
0x91: {  	s17 =	sld [smem:$0x3FFB];
	_ =	sdelay $0x3  }
0x92: {  	_ =	strace s17  }
0x93: {  	s2 =	sld [smem:$0x3FFC];
	_ =	sdelay $0x3  }
0x94: {  	_ =	strace s2  }
0x95: {  	s2 =	sld [smem:$0x3FFD];
	_ =	sdelay $0x3  }
0x96: {  	_ =	strace s2  }
0x97: {  	_ =	strace $0x8FFFFFFF  }
0x98: {  	s18 =	sld [smem:$0x3FDB];
	_ =	sdelay $0x1  }
0x99: {  	s19 =	simm.s32 $_scs_section_size  }
0x9a: {  	s4 =	simm.s32 $_size__tile_overlayer_lowered;
	s5 =	simm.s32 $_tile_overlayer_lowered  }
0x9b: {  	s22 =	simm.s32 $0x1BFF;
	s21 =	sshll.u32 s5, $0x1;
	s2 =	sadd.s32 s19, s18  }
0x9c: {  	s6 =	simm.s32 $0x0;
	s20 =	sshll.u32 s4, $0x1;
	s4 =	sadd.s32 s21, s2  }
0x9d: {  	[timem:s6], [sflag:s22] =	dma.local [hbm:s4], s20  }
0x9e: {  	_ =	swait.ge [sflag:s22], s20  }
0x9f: {  	s3 =	ssub.s32 $0x0, s20;
	[sflag:s22] =	ssyncset.done $0x0  }
0xa0: {  	[sflag:s22] =	ssyncadd.s32 s3;
	_ =	sdelay $0x1  }
0xa1: {  	s23 =	simm.s32 $0x1B8B  }
0xa2: {  	_ =	swait.ge [sflag:s23], $0x1  }
0xa3: {  	[sflag:s23] =	ssyncset.done $0x0  }
0xa4: {  	s25 =	simm.s32 $0x1B8E;
	s24 =	sld [smem:$0x3FFE];
	[sflag:s23] =	ssyncadd.s32 $0xFFFFFFFF  }
0xa5: {  	s26 =	simm.s32 $execute0_lowered;
	[smem:$0x3FD2] =	sst s25  }
0xa6: {  	s4 =	sshll.u32 s26, $0x1;
	_ =	strace $0x80000046;
	[dreg:$0x1] =	wrdreg $0xFFFFFFFF  }
0xa7: {  	s28 =	simm.s32 $_size_execute0_lowered;
	s2 =	sadd.s32 s2, s4;
	[dreg:$0x0] =	wrdreg $0x0  }
0xa8: {  	s4 =	sshll.u32 s28, $0x1;
	[dreg:$0x2] =	wrdreg s2  }
0xa9: {  	[dreg:$0x3] =	wrdreg s4  }
0xaa: {  	[dreg:$0x4] =	wrdreg $0xC0  }
0xab: {  	_ =	task [dreg:s6], $0x5FFFF  }
0xac: {  	[dreg:$0x1] =	wrdreg $0xFFFFFFFF  }
0xad: {  	[dreg:$0x0] =	wrdreg $0x60  }
0xae: {  	[dreg:$0x2] =	wrdreg s24  }
0xaf: {  	[dreg:$0x3] =	wrdreg $0x9  }
0xb0: {  	_ =	task.clear_ibuf [dreg:s6], $0x4FFFF;
	_ =	strace $0x90000046  }
0xb1: {  	s29 =	simm.s32 $0x9;
	_ =	strace $0x80000048  }
0xb2: {  	_ =	swait.ge [sflag:s29], $0x1  }
0xb3: {  	[sflag:s29] =	ssyncadd.s32 $0xFFFFFFFF  }
0xb4: {  	_ =	strace $0x90000048  }
0xb5: {  	_ =	sfence  }
0xb6: {  	s30 =	sld [smem:$0x0];
	_ =	sdelay $0x2  }
0xb7: {  	s31 =	sshll.u32 s1, $0xD;
	s1 =	sshrl.u32 s1, $0x2  }
0xb8: {  	s3 =	sand.u32 $0x4000, s31;
	s1 =	sadd.s32 s1, s30  }
0xb9: {  	s0 =	sor.u32 s3, s0;
	s1 =	sshll.u32 s1, $0x11  }
0xba: {  	s0 =	sor.u32 s1, s0  }
0xbb: {  	s0 =	sadd.s32 $0x8F2B, s0  }
0xbc: {  	[sflag:s0] =	ssyncadd.remote.s32 $0x1  }
0xbd: {  	_ =	sfence.sel $0xFFFF  }
0xbe: {  	[dreg:$0x0] =	wrdreg $0xFFFFFFFF;
	(pc) =	sbr.abs _section_cstart, $3  }
0xbf: {  	[dreg:$0x1] =	wrdreg $0xFFFFFFFF  }
0xc0: {  	_ =	task.clear_ibuf [dreg:s6], $0x2FFFF;
	_ =	strace $0x9FFFFFFF  }
0xc1: {  	(tm) =	ssettm $0x7FFFFFFF  }
tec
execute0_lowered:
.L_overlay_start_1:
0x0: {  	(tag) =	ssettag $0x1  }
0x1: {  	s0 =	srdreg.scid;
	s5 =	rddreg [dreg:$0x0];
	s2 =	simm.s32 $0x0  }
0x2: {  	s4 =	stileid.u32;
	s13 =	simm.s32 $0x1000;
	[smem:$0x7FF] =	sst s2  }
0x3: {  	s14 =	simm.s32 $0x480;
	_ =	strace $0x80000047;
	[dreg:$0x4] =	wrdreg s13  }
0x4: {  	s15 =	simm.s32 $0x5000;
	s16 =	simm.s32 $0x100;
	[dreg:$0x5] =	wrdreg s14  }
0x5: {  	s17 =	simm.s32 $0x1800;
	s19 =	simm.s32 $0x500;
	[dreg:$0x6] =	wrdreg s15  }
0x6: {  	s20 =	simm.s32 $0x5800;
	s21 =	simm.s32 $0x180;
	[dreg:$0x7] =	wrdreg s16  }
0x7: {  	s23 =	simm.s32 $0x2000;
	s25 =	simm.s32 $0x580;
	[dreg:$0x8] =	wrdreg s17  }
0x8: {  	s8 =	simm.s32 $0x3;
	s26 =	simm.s32 $0x6000;
	[dreg:$0x9] =	wrdreg s19  }
0x9: {  	s9 =	simm.s32 $0x400;
	s29 =	simm.s32 $0x200;
	[dreg:$0xa] =	wrdreg s20  }
0xa: {  	s10 =	simm.s32 $0x80;
	s30 =	simm.s32 $0x2800;
	[dreg:$0xb] =	wrdreg s21  }
0xb: {  	s11 =	simm.s32 $0x800;
	s31 =	simm.s32 $0x600;
	[dreg:$0xc] =	wrdreg s23  }
0xc: {  	s28 =	simm.s32 $0x2;
	s1 =	smul.u32 $0x6800, s4;
	[dreg:$0xd] =	wrdreg s25  }
0xd: {  	s0 =	sand.u32 $0x1, s0;
	s6 =	smul.u32 $0x68000, s4;
	[dreg:$0xe] =	wrdreg s26  }
0xe: {  	s4 =	sadd.s32 $0x8EC00, s5;
	s3 =	smul.u32 $0x3400, s0;
	[dreg:$0xf] =	wrdreg s29  }
0xf: {  	s7 =	smul.u32 $0x34000, s0;
	s0 =	ssub.s32 $0x2, s0;
	[dreg:$0x10] =	wrdreg s30  }
0x10: {  	[dreg:$0x11] =	wrdreg s31;
	s13 =	simm.s32 $0x3000;
	s14 =	simm.s32 $0x680  }
0x11: {  	s17 =	simm.s32 $0x7000;
	s19 =	simm.s32 $0x3800;
	s20 =	simm.s32 $0x700  }
0x12: {  	s21 =	simm.s32 $0x7800;
	s23 =	simm.s32 $0x4000;
	s25 =	simm.s32 $0x8000  }
0x13: {  	s26 =	simm.s32 $0x1;
	s18 =	sshrl.u32 s0, $0x1;
	s1 =	sadd.s32 s3, s1  }
0x14: {  	s3 =	sadd.s32 $0x283B000, s5;
	s0 =	ssub.s32 s0, s18;
	s1 =	sshrl.u32 s1, $0x3  }
0x15: {  	s6 =	sadd.s32 s7, s6;
	s0 =	smax.u32 s0, $0x1;
	s1 =	sadd.s32 s1, s5  }
0x16: {  	s6 =	sshrl.u32 s6, $0x3;
	[dreg:$0x12] =	wrdreg s0;
	s12 =	sadd.s32 $0x4EC00, s1  }
0x17: {  	s6 =	sadd.s32 s6, s5;
	s1 =	sadd.s32 $0x41C00, s1;
	[dreg:$0x2] =	wrdreg s12  }
0x18: {  	s18 =	simm.s32 $0x300;
	s22 =	sadd.s32 $0x1AE200, s6;
	[dreg:$0x3] =	wrdreg s1  }
0x19: {  	s5 =	simm.s32 $0x280;
	s24 =	sadd.s32 $0xDE200, s6;
	[dreg:$0x13] =	wrdreg s22  }
0x1a: {  	s6 =	simm.s32 $0x0;
	[dreg:$0x14] =	wrdreg s24;
	s12 =	simm.s32 $0x4800  }
0x1b: {  	s1 =	simm.s32 $0x6800;
	s22 =	simm.s32 $0x380;
	s24 =	simm.s32 $0x780  }
.LBB2_1:
0x1c: {  	s0 =	rddreg [dreg:$0x3]  }
0x1d: {  	[dreg:$0x15] =	wrdreg s6;
	s6 =	sadd.s32 $0x0, s0  }
0x1e: {  	[tilespmem:s2], [sflag:$0x3] =	stream.linear.gather [hbm4b:s6+s2], $0x400, $0x38;
	[tilespmem:$0x8800] =	vst v63  }
0x1f: {  	_ =	swait.ge [sflag:s8], $0x400  }
0x20: {  	s7 =	rddreg [dreg:$0x2];
	[sflag:s8] =	ssyncset.done $0x0  }
0x21: {  	[sflag:s8] =	ssyncadd.s32 $0xFFFFFC00;
	s6 =	sadd.s32 $0x0, s7  }
0x22: {  	[tilespmem:s9], [sflag:$0x3] =	stream.linear.gather [hbm4b:s6+s2], $0x400, $0x38;
	[tilespmem:$0x8800] =	vst v63  }
0x23: {  	_ =	swait.ge [sflag:s8], $0x400  }
0x24: {  	s15 =	rddreg [dreg:$0x4]  }
0x25: {  	s7 =	rddreg [dreg:$0x6]  }
0x26: {  	s30 =	rddreg [dreg:$0x8]  }
0x27: {  	[sflag:s8] =	ssyncset.done $0x0;
	s31 =	rddreg [dreg:$0x5]  }
0x28: {  	s16 =	rddreg [dreg:$0x7];
	[sflag:s8] =	ssyncadd.s32 $0xFFFFFC00  }
0x29: {  	[tilespmem:s11], [sflag:$0x1] =	stream.indirect.gather [hbm4b:s3+s10], $0x10, s2, s10, $0xb8;
	[tilespmem:$0x8800] =	vst v63  }
0x2a: {  	s29 =	rddreg [dreg:$0xa]  }
0x2b: {  	[tilespmem:s12], [sflag:$0x2] =	stream.indirect.gather [hbm4b:s4+s10], $0x10, s9, s10, $0xb8;
	[tilespmem:$0x8800] =	vst v63  }
0x2c: {  	s0 =	rddreg [dreg:$0xc]  }
0x2d: {  	[tilespmem:s15], [sflag:$0x1] =	stream.indirect.gather [hbm4b:s3+s10], $0x10, s10, s10, $0xb8;
	[tilespmem:$0x8800] =	vst v63  }
0x2e: {  	s15 =	rddreg [dreg:$0xe]  }
0x2f: {  	[tilespmem:s7], [sflag:$0x2] =	stream.indirect.gather [hbm4b:s4+s10], $0x10, s31, s10, $0xb8;
	[tilespmem:$0x8800] =	vst v63  }
0x30: {  	s31 =	rddreg [dreg:$0x9]  }
0x31: {  	[tilespmem:s30], [sflag:$0x1] =	stream.indirect.gather [hbm4b:s3+s10], $0x10, s16, s10, $0xb8;
	[tilespmem:$0x8800] =	vst v63  }
0x32: {  	s30 =	rddreg [dreg:$0xb]  }
0x33: {  	[tilespmem:s29], [sflag:$0x2] =	stream.indirect.gather [hbm4b:s4+s10], $0x10, s31, s10, $0xb8;
	[tilespmem:$0x8800] =	vst v63  }
0x34: {  	s16 =	rddreg [dreg:$0x10]  }
0x35: {  	[tilespmem:s0], [sflag:$0x1] =	stream.indirect.gather [hbm4b:s3+s10], $0x10, s30, s10, $0xb8;
	[tilespmem:$0x8800] =	vst v63  }
0x36: {  	s31 =	rddreg [dreg:$0xd]  }
0x37: {  	[tilespmem:s15], [sflag:$0x2] =	stream.indirect.gather [hbm4b:s4+s10], $0x10, s31, s10, $0xb8;
	[tilespmem:$0x8800] =	vst v63  }
0x38: {  	s30 =	rddreg [dreg:$0xf]  }
0x39: {  	[tilespmem:s16], [sflag:$0x1] =	stream.indirect.gather [hbm4b:s3+s10], $0x10, s30, s10, $0xb8;
	[tilespmem:$0x8800] =	vst v63  }
0x3a: {  	s29 =	rddreg [dreg:$0x11]  }
0x3b: {  	[tilespmem:s1], [sflag:$0x2] =	stream.indirect.gather [hbm4b:s4+s10], $0x10, s29, s10, $0xb8;
	[tilespmem:$0x8800] =	vst v63  }
0x3c: {  	_ = 	snop  }
0x3d: {  	[tilespmem:s13], [sflag:$0x1] =	stream.indirect.gather [hbm4b:s3+s10], $0x10, s5, s10, $0xb8;
	[tilespmem:$0x8800] =	vst v63  }
0x3e: {  	_ = 	snop  }
0x3f: {  	[tilespmem:s17], [sflag:$0x2] =	stream.indirect.gather [hbm4b:s4+s10], $0x10, s14, s10, $0xb8;
	[tilespmem:$0x8800] =	vst v63  }
0x40: {  	_ = 	snop  }
0x41: {  	[tilespmem:s19], [sflag:$0x1] =	stream.indirect.gather [hbm4b:s3+s10], $0x10, s18, s10, $0xb8;
	[tilespmem:$0x8800] =	vst v63  }
0x42: {  	_ = 	snop  }
0x43: {  	[tilespmem:s21], [sflag:$0x2] =	stream.indirect.gather [hbm4b:s4+s10], $0x10, s20, s10, $0xb8;
	[tilespmem:$0x8800] =	vst v63  }
0x44: {  	_ = 	snop  }
0x45: {  	[tilespmem:s23], [sflag:$0x1] =	stream.indirect.gather [hbm4b:s3+s10], $0x10, s22, s10, $0xb8;
	[tilespmem:$0x8800] =	vst v63  }
0x46: {  	_ = 	snop  }
0x47: {  	[tilespmem:s25], [sflag:$0x2] =	stream.indirect.gather [hbm4b:s4+s10], $0x10, s24, s10, $0xb8;
	[tilespmem:$0x8800] =	vst v63  }
0x48: {  	_ =	swait.ge [sflag:s26], $0x800  }
0x49: {  	[sflag:s26] =	ssyncset.done $0x0  }
0x4a: {  	[sflag:s26] =	ssyncadd.s32 $0xFFFFF800  }
0x4b: {  	_ =	swait.ge [sflag:s28], $0x800  }
0x4c: {  	[sflag:s28] =	ssyncset.done $0x0  }
0x4d: {  	[sflag:s28] =	ssyncadd.s32 $0xFFFFF800  }
0x4e: {  	_ =	swait.ge [sflag:s26], $0x800  }
0x4f: {  	[sflag:s26] =	ssyncset.done $0x0  }
0x50: {  	[sflag:s26] =	ssyncadd.s32 $0xFFFFF800  }
0x51: {  	_ =	swait.ge [sflag:s28], $0x800  }
0x52: {  	[sflag:s28] =	ssyncset.done $0x0  }
0x53: {  	[sflag:s28] =	ssyncadd.s32 $0xFFFFF800  }
0x54: {  	_ =	swait.ge [sflag:s26], $0x800  }
0x55: {  	[sflag:s26] =	ssyncset.done $0x0  }
0x56: {  	[sflag:s26] =	ssyncadd.s32 $0xFFFFF800  }
0x57: {  	_ =	swait.ge [sflag:s28], $0x800  }
0x58: {  	[sflag:s28] =	ssyncset.done $0x0  }
0x59: {  	[sflag:s28] =	ssyncadd.s32 $0xFFFFF800  }
0x5a: {  	_ =	swait.ge [sflag:s26], $0x800  }
0x5b: {  	[sflag:s26] =	ssyncset.done $0x0  }
0x5c: {  	[sflag:s26] =	ssyncadd.s32 $0xFFFFF800  }
0x5d: {  	_ =	swait.ge [sflag:s28], $0x800  }
0x5e: {  	[sflag:s28] =	ssyncset.done $0x0  }
0x5f: {  	[sflag:s28] =	ssyncadd.s32 $0xFFFFF800  }
0x60: {  	_ =	swait.ge [sflag:s26], $0x800  }
0x61: {  	[sflag:s26] =	ssyncset.done $0x0  }
0x62: {  	[sflag:s26] =	ssyncadd.s32 $0xFFFFF800  }
0x63: {  	_ =	swait.ge [sflag:s28], $0x800  }
0x64: {  	[sflag:s28] =	ssyncset.done $0x0  }
0x65: {  	[sflag:s28] =	ssyncadd.s32 $0xFFFFF800  }
0x66: {  	_ =	swait.ge [sflag:s26], $0x800  }
0x67: {  	[sflag:s26] =	ssyncset.done $0x0  }
0x68: {  	[sflag:s26] =	ssyncadd.s32 $0xFFFFF800  }
0x69: {  	_ =	swait.ge [sflag:s28], $0x800  }
0x6a: {  	[sflag:s28] =	ssyncset.done $0x0  }
0x6b: {  	[sflag:s28] =	ssyncadd.s32 $0xFFFFF800  }
0x6c: {  	_ =	swait.ge [sflag:s26], $0x800  }
0x6d: {  	[sflag:s26] =	ssyncset.done $0x0  }
0x6e: {  	[sflag:s26] =	ssyncadd.s32 $0xFFFFF800  }
0x6f: {  	_ =	swait.ge [sflag:s28], $0x800  }
0x70: {  	[sflag:s28] =	ssyncset.done $0x0  }
0x71: {  	[sflag:s28] =	ssyncadd.s32 $0xFFFFF800  }
0x72: {  	_ =	swait.ge [sflag:s26], $0x800  }
0x73: {  	[sflag:s26] =	ssyncset.done $0x0  }
0x74: {  	[sflag:s26] =	ssyncadd.s32 $0xFFFFF800  }
0x75: {  	_ =	swait.ge [sflag:s28], $0x800  }
0x76: {  	[sflag:s28] =	ssyncset.done $0x0  }
0x77: {  	s7 =	rddreg [dreg:$0x14];
	[sflag:s28] =	ssyncadd.s32 $0xFFFFF800  }
0x78: {  	[hbm4b:s7+s2] =	stream.linear.scatter [tilespmem:s11], [sflag:$0x3], $0x4000, $0x38;
	[tilespmem:$0x8800] =	vst v63  }
0x79: {  	_ =	swait.ge [sflag:s8], $0x4000  }
0x7a: {  	s6 =	rddreg [dreg:$0x13]  }
0x7b: {  	s30 =	simm.s32 $0x80;
	s31 =	smov.u32 s6  }
.LBB2_2:
0x7c: {  	[sflag:s8] =	ssyncset.done $0x0  }
0x7d: {  	[sflag:s8] =	ssyncadd.s32 $0xFFFFC000  }
0x7e: {  	[hbm4b:s6+s2] =	stream.linear.scatter [tilespmem:s12], [sflag:$0x3], $0x4000, $0x38;
	[tilespmem:$0x8800] =	vst v63  }
0x7f: {  	_ =	swait.ge [sflag:s8], $0x4000  }
0x80: {  	s5 =	smov.u32 s30;
	s0 =	rddreg [dreg:$0x3];
	[sflag:s8] =	ssyncset.done $0x0  }
0x81: {  	[sflag:s8] =	ssyncadd.s32 $0xFFFFC000;
	s0 =	sadd.s32 s5, s0  }
0x82: {  	[tilespmem:s2], [sflag:$0x3] =	stream.linear.gather [hbm4b:s0+s2], $0x400, $0x38;
	[tilespmem:$0x8800] =	vst v63  }
0x83: {  	_ =	swait.ge [sflag:s8], $0x400  }
0x84: {  	s15 =	rddreg [dreg:$0x2];
	[sflag:s8] =	ssyncset.done $0x0  }
0x85: {  	[sflag:s8] =	ssyncadd.s32 $0xFFFFFC00;
	s0 =	sadd.s32 s5, s15  }
0x86: {  	[tilespmem:s9], [sflag:$0x3] =	stream.linear.gather [hbm4b:s0+s2], $0x400, $0x38;
	[tilespmem:$0x8800] =	vst v63  }
0x87: {  	_ =	swait.ge [sflag:s8], $0x400  }
0x88: {  	s0 =	rddreg [dreg:$0x10]  }
0x89: {  	s5 =	rddreg [dreg:$0xe]  }
0x8a: {  	s1 =	rddreg [dreg:$0xc]  }
0x8b: {  	s29 =	rddreg [dreg:$0x4];
	[sflag:s8] =	ssyncset.done $0x0  }
0x8c: {  	s13 =	rddreg [dreg:$0x6];
	[sflag:s8] =	ssyncadd.s32 $0xFFFFFC00  }
0x8d: {  	[tilespmem:s11], [sflag:$0x1] =	stream.indirect.gather [hbm4b:s3+s10], $0x10, s2, s10, $0xb8;
	[tilespmem:$0x8800] =	vst v63  }
0x8e: {  	s14 =	rddreg [dreg:$0x8]  }
0x8f: {  	[tilespmem:s12], [sflag:$0x2] =	stream.indirect.gather [hbm4b:s4+s10], $0x10, s9, s10, $0xb8;
	[tilespmem:$0x8800] =	vst v63  }
0x90: {  	s15 =	rddreg [dreg:$0xa]  }
0x91: {  	[tilespmem:s29], [sflag:$0x1] =	stream.indirect.gather [hbm4b:s3+s10], $0x10, s10, s10, $0xb8;
	[tilespmem:$0x8800] =	vst v63  }
0x92: {  	s16 =	rddreg [dreg:$0x5]  }
0x93: {  	[tilespmem:s13], [sflag:$0x2] =	stream.indirect.gather [hbm4b:s4+s10], $0x10, s16, s10, $0xb8;
	[tilespmem:$0x8800] =	vst v63  }
0x94: {  	s29 =	rddreg [dreg:$0x7]  }
0x95: {  	[tilespmem:s14], [sflag:$0x1] =	stream.indirect.gather [hbm4b:s3+s10], $0x10, s29, s10, $0xb8;
	[tilespmem:$0x8800] =	vst v63  }
0x96: {  	s16 =	rddreg [dreg:$0x9]  }
0x97: {  	[tilespmem:s15], [sflag:$0x2] =	stream.indirect.gather [hbm4b:s4+s10], $0x10, s16, s10, $0xb8;
	[tilespmem:$0x8800] =	vst v63  }
0x98: {  	s29 =	rddreg [dreg:$0xb]  }
0x99: {  	[tilespmem:s1], [sflag:$0x1] =	stream.indirect.gather [hbm4b:s3+s10], $0x10, s29, s10, $0xb8;
	[tilespmem:$0x8800] =	vst v63  }
0x9a: {  	s15 =	rddreg [dreg:$0xd]  }
0x9b: {  	[tilespmem:s5], [sflag:$0x2] =	stream.indirect.gather [hbm4b:s4+s10], $0x10, s15, s10, $0xb8;
	[tilespmem:$0x8800] =	vst v63  }
0x9c: {  	s16 =	rddreg [dreg:$0xf]  }
0x9d: {  	[tilespmem:s0], [sflag:$0x1] =	stream.indirect.gather [hbm4b:s3+s10], $0x10, s16, s10, $0xb8;
	[tilespmem:$0x8800] =	vst v63  }
0x9e: {  	s29 =	rddreg [dreg:$0x11];
	s1 =	simm.s32 $0x6800  }
0x9f: {  	[tilespmem:s1], [sflag:$0x2] =	stream.indirect.gather [hbm4b:s4+s10], $0x10, s29, s10, $0xb8;
	[tilespmem:$0x8800] =	vst v63  }
0xa0: {  	s13 =	simm.s32 $0x3000;
	s5 =	simm.s32 $0x280  }
0xa1: {  	[tilespmem:s13], [sflag:$0x1] =	stream.indirect.gather [hbm4b:s3+s10], $0x10, s5, s10, $0xb8;
	[tilespmem:$0x8800] =	vst v63  }
0xa2: {  	s14 =	simm.s32 $0x680  }
0xa3: {  	[tilespmem:s17], [sflag:$0x2] =	stream.indirect.gather [hbm4b:s4+s10], $0x10, s14, s10, $0xb8;
	[tilespmem:$0x8800] =	vst v63  }
0xa4: {  	_ = 	snop  }
0xa5: {  	[tilespmem:s19], [sflag:$0x1] =	stream.indirect.gather [hbm4b:s3+s10], $0x10, s18, s10, $0xb8;
	[tilespmem:$0x8800] =	vst v63  }
0xa6: {  	_ = 	snop  }
0xa7: {  	[tilespmem:s21], [sflag:$0x2] =	stream.indirect.gather [hbm4b:s4+s10], $0x10, s20, s10, $0xb8;
	[tilespmem:$0x8800] =	vst v63  }
0xa8: {  	_ = 	snop  }
0xa9: {  	[tilespmem:s23], [sflag:$0x1] =	stream.indirect.gather [hbm4b:s3+s10], $0x10, s22, s10, $0xb8;
	[tilespmem:$0x8800] =	vst v63  }
0xaa: {  	_ = 	snop  }
0xab: {  	[tilespmem:s25], [sflag:$0x2] =	stream.indirect.gather [hbm4b:s4+s10], $0x10, s24, s10, $0xb8;
	[tilespmem:$0x8800] =	vst v63  }
0xac: {  	_ =	swait.ge [sflag:s26], $0x800  }
0xad: {  	[sflag:s26] =	ssyncset.done $0x0  }
0xae: {  	[sflag:s26] =	ssyncadd.s32 $0xFFFFF800  }
0xaf: {  	_ =	swait.ge [sflag:s28], $0x800  }
0xb0: {  	[sflag:s28] =	ssyncset.done $0x0  }
0xb1: {  	[sflag:s28] =	ssyncadd.s32 $0xFFFFF800  }
0xb2: {  	_ =	swait.ge [sflag:s26], $0x800  }
0xb3: {  	[sflag:s26] =	ssyncset.done $0x0  }
0xb4: {  	[sflag:s26] =	ssyncadd.s32 $0xFFFFF800  }
0xb5: {  	_ =	swait.ge [sflag:s28], $0x800  }
0xb6: {  	[sflag:s28] =	ssyncset.done $0x0  }
0xb7: {  	[sflag:s28] =	ssyncadd.s32 $0xFFFFF800  }
0xb8: {  	_ =	swait.ge [sflag:s26], $0x800  }
0xb9: {  	[sflag:s26] =	ssyncset.done $0x0  }
0xba: {  	[sflag:s26] =	ssyncadd.s32 $0xFFFFF800  }
0xbb: {  	_ =	swait.ge [sflag:s28], $0x800  }
0xbc: {  	[sflag:s28] =	ssyncset.done $0x0  }
0xbd: {  	[sflag:s28] =	ssyncadd.s32 $0xFFFFF800  }
0xbe: {  	_ =	swait.ge [sflag:s26], $0x800  }
0xbf: {  	[sflag:s26] =	ssyncset.done $0x0  }
0xc0: {  	[sflag:s26] =	ssyncadd.s32 $0xFFFFF800  }
0xc1: {  	_ =	swait.ge [sflag:s28], $0x800  }
0xc2: {  	[sflag:s28] =	ssyncset.done $0x0  }
0xc3: {  	[sflag:s28] =	ssyncadd.s32 $0xFFFFF800  }
0xc4: {  	_ =	swait.ge [sflag:s26], $0x800  }
0xc5: {  	[sflag:s26] =	ssyncset.done $0x0  }
0xc6: {  	[sflag:s26] =	ssyncadd.s32 $0xFFFFF800  }
0xc7: {  	_ =	swait.ge [sflag:s28], $0x800  }
0xc8: {  	[sflag:s28] =	ssyncset.done $0x0  }
0xc9: {  	[sflag:s28] =	ssyncadd.s32 $0xFFFFF800  }
0xca: {  	_ =	swait.ge [sflag:s26], $0x800  }
0xcb: {  	[sflag:s26] =	ssyncset.done $0x0  }
0xcc: {  	[sflag:s26] =	ssyncadd.s32 $0xFFFFF800  }
0xcd: {  	_ =	swait.ge [sflag:s28], $0x800  }
0xce: {  	[sflag:s28] =	ssyncset.done $0x0  }
0xcf: {  	[sflag:s28] =	ssyncadd.s32 $0xFFFFF800  }
0xd0: {  	_ =	swait.ge [sflag:s26], $0x800  }
0xd1: {  	[sflag:s26] =	ssyncset.done $0x0  }
0xd2: {  	[sflag:s26] =	ssyncadd.s32 $0xFFFFF800  }
0xd3: {  	_ =	swait.ge [sflag:s28], $0x800  }
0xd4: {  	[sflag:s28] =	ssyncset.done $0x0  }
0xd5: {  	[sflag:s28] =	ssyncadd.s32 $0xFFFFF800  }
0xd6: {  	_ =	swait.ge [sflag:s26], $0x800  }
0xd7: {  	[sflag:s26] =	ssyncset.done $0x0  }
0xd8: {  	p0 =	sne.s32 s30, $0x600;
	[sflag:s26] =	ssyncadd.s32 $0xFFFFF800  }
.Ltmp0:
0xd9: {  	_ =	swait.ge [sflag:s28], $0x800;
	(pc) =	sbr.rel @p0 .LBB2_2-.Ltmp0, $4  }
0xda: {  	[sflag:s28] =	ssyncset.done $0x0  }
0xdb: {  	s31 =	sadd.s32 $0x800, s31;
	s7 =	sadd.s32 $0x800, s7;
	[sflag:s28] =	ssyncadd.s32 $0xFFFFF800  }
0xdc: {  	[hbm4b:s7+s2] =	stream.linear.scatter [tilespmem:s11], [sflag:$0x3], $0x4000, $0x38;
	[tilespmem:$0x8800] =	vst v63  }
0xdd: {  	s30 =	sadd.s32 $0x80, s30;
	s6 =	smov.u32 s31;
	_ =	swait.ge [sflag:s8], $0x4000  }
0xde: {  	[sflag:s8] =	ssyncset.done $0x0  }
0xdf: {  	[sflag:s8] =	ssyncadd.s32 $0xFFFFC000  }
0xe0: {  	[hbm4b:s6+s2] =	stream.linear.scatter [tilespmem:s12], [sflag:$0x3], $0x4000, $0x38;
	[tilespmem:$0x8800] =	vst v63  }
0xe1: {  	_ =	swait.ge [sflag:s8], $0x4000  }
0xe2: {  	s31 =	rddreg [dreg:$0x15]  }
0xe3: {  	s0 =	rddreg [dreg:$0x12];
	s6 =	sadd.s32 $0x1, s31  }
0xe4: {  	p0 =	sne.s32 s6, s0  }
.Ltmp1:
0xe5: {  	_ = 	snop;
	(pc) =	sbr.rel @p0 .LBB2_1-.Ltmp1, $3  }
0xe6: {  	_ =	sdelay $0x1  }
0xe7: {  	[sflag:s8] =	ssyncset.done $0x0  }
0xe8: {  	[sflag:s8] =	ssyncadd.s32 $0xFFFFC000  }
0xe9: {  	_ =	sfence.sel $0x180000  }
0xea: {  	[bflag:$0x0] =	sbarrier.arrive $0xFFFF  }
0xeb: {  	_ =	strace $0x90000047  }
0xec: {  	s0 =	stileid.u32;
	[bflag:$0x2] =	sbarrier.arrive $0xFFFF  }
0xed: {  	p0 =	sne.s32 s0, $0x0;
	s0 =	rddreg [dreg:$0x1]  }
0xee: {  	s0 =	sadd.s32 @!p0 $0x100000, s0  }
0xef: {  	[sflag:s0] =	ssyncadd.tile.s32 @!p0 $0x1;
	_ =	shalt  }
.Lfunc_end2:
_tile_overlayer_lowered:
.L_overlay_start_2:
0xf0: {  	(tag) =	ssettag $0x2  }
0xf1: {  	s0 =	rddreg [dreg:$0x0];
	s2 =	stileid.u32  }
0xf2: {  	s1 =	rddreg [dreg:$0x1];
	p0 =	sne.s32 s2, $0x0  }
0xf3: {  	s3 =	rddreg [dreg:$0x2];
	[bflag:$0x3] =	sbarrier.arrive $0xFFFF;
	s2 =	simm.s32 @!p0 $0x1C03  }
0xf4: {  	[timem:s3], [sflag:s2] =	dma.local @!p0 [hbm:s0], s1  }
0xf5: {  	s0 =	simm.s32 @!p0 $0x3  }
0xf6: {  	_ =	swait.ge @!p0 [sflag:s0], s1  }
0xf7: {  	s1 =	ssub.s32 @!p0 $0x0, s1;
	[sflag:s0] =	ssyncset.done @!p0 $0x0  }
0xf8: {  	[sflag:s0] =	ssyncadd.s32 @!p0 s1  }
0xf9: {  	[bflag:$0x3] =	sbarrier.arrive $0xFFFF  }
0xfa: {  	_ =	shalt  }

</sc_bundles>
